<compile_context>
chip_gen: v7x
topology: tpu7x:2x2x1
jax: 0.10.2.dev20260603
libtpu: 0.0.44.dev20260713+nightly
codegen_flags: <defaults>
</compile_context>

<pallas_src>
import functools

import jax
import jax.numpy as jnp
from jax import lax
from jax.experimental import pallas as pl
from jax.experimental.pallas import tpu as pltpu
from jax.experimental.pallas import tpu_sc as plsc

_BETA = 0.25
_D = 128
_K = 512
_BLK = 1792

_NC = 2
_NS = 16
_NW = _NC * _NS


def _conv(x, w, stride, pad):
    return lax.conv_general_dilated(
        x, w, (stride, stride), ((pad, pad), (pad, pad)),
        dimension_numbers=('NCHW', 'OIHW', 'NCHW'))


def _conv_nhwc(x, w, stride, pad):
    return lax.conv_general_dilated(
        x, jnp.transpose(w, (2, 3, 1, 0)), (stride, stride),
        ((pad, pad), (pad, pad)),
        dimension_numbers=('NHWC', 'HWIO', 'NHWC'))


def _resblock_nhwc(x, w1, w2):
    h = _conv_nhwc(jax.nn.relu(x), w1, 1, 1)
    h = _conv_nhwc(jax.nn.relu(h), w2, 1, 0)
    return x + h


def _convT(x, w, stride, pad_eff):
    return lax.conv_general_dilated(
        x, w, (1, 1), ((pad_eff, pad_eff), (pad_eff, pad_eff)),
        lhs_dilation=(stride, stride),
        dimension_numbers=('NCHW', 'OIHW', 'NCHW'))


def _resblock(x, w1, w2):
    h = _conv(jax.nn.relu(x), w1, 1, 1)
    h = _conv(jax.nn.relu(h), w2, 1, 0)
    return x + h


def _vq_body(flat_ref, cb_ref, fsq_ref, cbsq_ref, idx_ref, zq_ref):
    fb = flat_ref[...]
    cb = cb_ref[...]
    scores = lax.dot_general(
        fb, cb, (((1,), (1,)), ((), ())),
        preferred_element_type=jnp.float32)
    dists = (fsq_ref[...] - 2.0 * scores) + cbsq_ref[...]
    minv = jnp.min(dists, axis=1, keepdims=True)
    lane = lax.broadcasted_iota(jnp.int32, dists.shape, 1)
    idx = jnp.min(jnp.where(dists == minv, lane, _K), axis=1)
    idx_ref[0, 0, :] = idx
    onehot = (lane == idx[:, None]).astype(jnp.float32)
    cb_hi = cb.astype(jnp.bfloat16).astype(jnp.float32)
    cb_lo = cb - cb_hi
    dn = (((1,), (0,)), ((), ()))
    zq_ref[...] = (
        lax.dot_general(onehot, cb_hi, dn, preferred_element_type=jnp.float32)
        + lax.dot_general(onehot, cb_lo, dn, preferred_element_type=jnp.float32))


def _vq_argmin(flat, cb, fsq, cbsq):
    n = flat.shape[0]
    nblk = n // _BLK
    idx3, zq = pl.pallas_call(
        _vq_body,
        grid=(nblk,),
        in_specs=[
            pl.BlockSpec((_BLK, _D), lambda i: (i, 0)),
            pl.BlockSpec((_K, _D), lambda i: (0, 0)),
            pl.BlockSpec((_BLK, 1), lambda i: (i, 0)),
            pl.BlockSpec((1, _K), lambda i: (0, 0)),
        ],
        out_specs=[
            pl.BlockSpec((1, 1, _BLK), lambda i: (i, 0, 0)),
            pl.BlockSpec((_BLK, _D), lambda i: (i, 0)),
        ],
        out_shape=[
            jax.ShapeDtypeStruct((nblk, 1, _BLK), jnp.int32),
            jax.ShapeDtypeStruct((n, _D), jnp.float32),
        ],
    )(flat, cb, fsq, cbsq)
    return idx3.reshape(-1), zq


def _loss_body(flat_ref, zq_ref, loss_ref):
    i = pl.program_id(0)
    d = zq_ref[...] - flat_ref[...]
    part = jnp.sum(d * d)

    @pl.when(i == 0)
    def _():
        loss_ref[0, 0] = 0.0

    loss_ref[0, 0] += part


def _vq_loss(flat, zq_sc):
    n = flat.shape[0]
    nblk = n // _BLK
    acc = pl.pallas_call(
        _loss_body,
        grid=(nblk,),
        in_specs=[
            pl.BlockSpec((_BLK, _D), lambda i: (i, 0)),
            pl.BlockSpec((_BLK, _D), lambda i: (i, 0)),
        ],
        out_specs=pl.BlockSpec((1, 1), lambda i: (0, 0),
                               memory_space=pltpu.SMEM),
        out_shape=jax.ShapeDtypeStruct((1, 1), jnp.float32),
    )(flat, zq_sc)
    return acc[0, 0]


def _sc_gather(cb, idx):
    n = idx.shape[0]
    bpw = n // _NW
    nch = 7
    ch = bpw // nch
    mesh = plsc.VectorSubcoreMesh(core_axis_name="c", subcore_axis_name="s")

    @functools.partial(
        pl.kernel,
        mesh=mesh,
        out_type=jax.ShapeDtypeStruct((n, _D), jnp.float32),
        scratch_types=[
            pltpu.VMEM((bpw,), jnp.int32),
            pltpu.VMEM((2, ch, _D), jnp.float32),
            pltpu.SemaphoreType.DMA,
            pltpu.SemaphoreType.DMA,
            pltpu.SemaphoreType.DMA,
        ],
    )
    def gather_k(table_hbm, idx_hbm, out_hbm, idx_v, rows_v, gsem, ssem, isem):
        wid = lax.axis_index("s") * _NC + lax.axis_index("c")
        base = wid * bpw
        pltpu.async_copy(idx_hbm.at[pl.ds(base, bpw)], idx_v, isem).wait()
        pltpu.async_copy(table_hbm.at[idx_v.at[pl.ds(0, ch)]], rows_v.at[0], gsem)
        for j in range(nch):
            pltpu.make_async_copy(table_hbm.at[idx_v.at[pl.ds(j * ch, ch)]],
                                  rows_v.at[j % 2], gsem).wait()
            if j > 0:
                pltpu.make_async_copy(rows_v.at[(j - 1) % 2],
                                      out_hbm.at[pl.ds(base + (j - 1) * ch, ch)],
                                      ssem).wait()
            if j + 1 < nch:
                pltpu.async_copy(
                    table_hbm.at[idx_v.at[pl.ds((j + 1) * ch, ch)]],
                    rows_v.at[(j + 1) % 2], gsem)
            pltpu.async_copy(rows_v.at[j % 2],
                             out_hbm.at[pl.ds(base + j * ch, ch)], ssem)
        pltpu.make_async_copy(rows_v.at[(nch - 1) % 2],
                              out_hbm.at[pl.ds(base + (nch - 1) * ch, ch)],
                              ssem).wait()

    return gather_k(cb, idx)


def kernel(x, enc_w1, enc_w2, enc_r1_w1, enc_r1_w2, enc_r2_w1, enc_r2_w2,
           codebook, dec_r1_w1, dec_r1_w2, dec_r2_w1, dec_r2_w2, dec_w1,
           dec_w2):
    ob = lax.optimization_barrier
    xh = ob(jnp.transpose(x, (0, 2, 3, 1)))
    h = ob(jax.nn.relu(_conv_nhwc(xh, enc_w1, 2, 1)))
    h = ob(_conv_nhwc(h, enc_w2, 2, 1))
    h = ob(_resblock_nhwc(h, enc_r1_w1, enc_r1_w2))
    z = ob(_resblock_nhwc(h, enc_r2_w1, enc_r2_w2))

    b, hh, ww, c = z.shape
    flat = z.reshape(-1, c)
    fsq = jnp.sum(flat ** 2, axis=1, keepdims=True)
    cbsq = jnp.sum(lax.stop_gradient(codebook) ** 2, axis=1)[None, :]
    idx, zq_tc = _vq_argmin(flat, codebook, fsq, cbsq)
    z_q_sc = _sc_gather(codebook, idx)
    loss = (1.0 + _BETA) * _vq_loss(flat, z_q_sc) / (flat.shape[0] * c)

    zq = jnp.transpose(zq_tc.reshape(b, hh, ww, c), (0, 3, 1, 2))
    d = ob(_resblock(zq, dec_r1_w1, dec_r1_w2))
    d = ob(_resblock(d, dec_r2_w1, dec_r2_w2))
    d = jax.nn.relu(d)
    d = ob(jax.nn.relu(_convT(d, dec_w1, 2, 2)))
    x_tilde = jnp.tanh(_convT(d, dec_w2, 2, 2))
    return x_tilde, loss

# --- scband reference (transcript-rebuilt; emitter-appended) ---
"""Pipeline reference for scband-vqvae-58291296141445 (READ-ONLY COPY).

The authoritative reference and input builder live on the scoring server;
editing this copy changes nothing except your own understanding.
"""

import jax, jax.numpy as jnp
import numpy as np

BETA = 0.25

def _conv(x, w, stride, pad):
    return jax.lax.conv_general_dilated(x, w, (stride, stride), ((pad, pad), (pad, pad)), dimension_numbers=('NCHW', 'OIHW', 'NCHW'))

def _convT(x, w, stride, pad_eff):
    # PyTorch ConvTranspose2d(k=4, s=2, p=1) == dilated conv with lhs_dilation=2, pad=k-1-p=2
    return jax.lax.conv_general_dilated(x, w, (1, 1), ((pad_eff, pad_eff), (pad_eff, pad_eff)), lhs_dilation=(stride, stride), dimension_numbers=('NCHW', 'OIHW', 'NCHW'))

def _resblock(x, w1, w2):
    h = _conv(jax.nn.relu(x), w1, 1, 1)
    h = _conv(jax.nn.relu(h), w2, 1, 0)
    return x + h

def _forward(x, enc_w1, enc_w2, enc_r1_w1, enc_r1_w2, enc_r2_w1, enc_r2_w2, codebook, dec_r1_w1, dec_r1_w2, dec_r2_w1, dec_r2_w2, dec_w1, dec_w2):
    # OordEncoder: two stride-2 convs + 2 residual blocks
    h = jax.nn.relu(_conv(x, enc_w1, 2, 1))
    h = _conv(h, enc_w2, 2, 1)
    h = _resblock(h, enc_r1_w1, enc_r1_w2)
    z_e = _resblock(h, enc_r2_w1, enc_r2_w2)
    # VQ straight-through (vq_st uses detached codebook)
    z = jnp.transpose(z_e, (0, 2, 3, 1))
    B, H, W, D = z.shape
    flat = z.reshape(-1, D)
    cb_sg = jax.lax.stop_gradient(codebook)
    dists = jnp.sum(flat ** 2, axis=1, keepdims=True) - 2.0 * flat @ cb_sg.T + jnp.sum(cb_sg ** 2, axis=1)[None, :]
    idx = jnp.argmin(dists, axis=1)
    z_q = jnp.take(cb_sg, idx, axis=0).reshape(B, H, W, D)
    z_q_st = z + jax.lax.stop_gradient(z_q - z)
    z_q_st = jnp.transpose(z_q_st, (0, 3, 1, 2))
    # z_q_x_bar: index_select on NON-detached codebook (grads flow to codebook via vq_loss)
    z_q_bar = jnp.take(codebook, idx, axis=0).reshape(B, H, W, D)
    z_q_bar = jnp.transpose(z_q_bar, (0, 3, 1, 2))
    # OordDecoder: 2 residual blocks + two stride-2 transposed convs
    d = _resblock(z_q_st, dec_r1_w1, dec_r1_w2)
    d = _resblock(d, dec_r2_w1, dec_r2_w2)
    d = jax.nn.relu(d)
    d = jax.nn.relu(_convT(d, dec_w1, 2, 2))
    x_tilde = jnp.tanh(_convT(d, dec_w2, 2, 2))
    # self.loss = mse(z_q, sg(z_e)) + beta * mse(z_e, sg(z_q))
    vq_loss = jnp.mean((z_q_bar - jax.lax.stop_gradient(z_e)) ** 2)
    commit_loss = jnp.mean((z_e - jax.lax.stop_gradient(z_q_bar)) ** 2)
    loss = vq_loss + BETA * commit_loss
    return x_tilde, loss

def setup_inputs(seed: int = 0):
    key = jax.random.key(seed)
    ks = jax.random.split(key, 16)
    D, K, s = 128, 512, 0.05
    return {
        'x': jax.random.normal(ks[0], (4, 3, 224, 224), jnp.float32),
        'enc_w1': jax.random.normal(ks[1], (D, 3, 4, 4), jnp.float32) * s,
        'enc_w2': jax.random.normal(ks[2], (D, D, 4, 4), jnp.float32) * s,
        'enc_r1_w1': jax.random.normal(ks[3], (D, D, 3, 3), jnp.float32) * s,
        'enc_r1_w2': jax.random.normal(ks[4], (D, D, 1, 1), jnp.float32) * s,
        'enc_r2_w1': jax.random.normal(ks[5], (D, D, 3, 3), jnp.float32) * s,
        'enc_r2_w2': jax.random.normal(ks[6], (D, D, 1, 1), jnp.float32) * s,
        'codebook': jax.random.uniform(ks[7], (K, D), jnp.float32, -1.0 / K, 1.0 / K),
        'dec_r1_w1': jax.random.normal(ks[8], (D, D, 3, 3), jnp.float32) * s,
        'dec_r1_w2': jax.random.normal(ks[9], (D, D, 1, 1), jnp.float32) * s,
        'dec_r2_w1': jax.random.normal(ks[10], (D, D, 3, 3), jnp.float32) * s,
        'dec_r2_w2': jax.random.normal(ks[11], (D, D, 1, 1), jnp.float32) * s,
        'dec_w1': jax.random.normal(ks[12], (D, D, 4, 4), jnp.float32) * s,
        'dec_w2': jax.random.normal(ks[13], (3, D, 4, 4), jnp.float32) * s,
    }

def reference(x, enc_w1, enc_w2, enc_r1_w1, enc_r1_w2, enc_r2_w1, enc_r2_w2, codebook, dec_r1_w1, dec_r1_w2, dec_r2_w1, dec_r2_w2, dec_w1, dec_w2):
    return _forward(x, enc_w1, enc_w2, enc_r1_w1, enc_r1_w2, enc_r2_w1, enc_r2_w2, codebook, dec_r1_w1, dec_r1_w2, dec_r2_w1, dec_r2_w2, dec_w1, dec_w2)

if __name__ == "__main__":
    import jax
    _d = setup_inputs()
    print(jax.jit(kernel)(*tuple(_d.values())))

</pallas_src>

<mosaic_0001>
#map = affine_map<(d0, d1) -> (0, 0)>
#map1 = affine_map<(d0, d1) -> (0)>
module attributes {stable_mosaic.version = 14 : i64} {
  func.func @gather_k(%arg0: i32, %arg1: i32, %arg2: memref<512x128xf32, #tpu.memory_space<hbm>>, %arg3: memref<12544xi32, #tpu.memory_space<hbm>>, %arg4: memref<12544x128xf32, #tpu.memory_space<hbm>>, %arg5: memref<392xi32, #tpu.memory_space<vmem>>, %arg6: memref<2x56x128xf32, #tpu.memory_space<vmem>>, %arg7: memref<!tpu.dma_semaphore, #tpu.memory_space<semaphore_mem>>, %arg8: memref<!tpu.dma_semaphore, #tpu.memory_space<semaphore_mem>>, %arg9: memref<!tpu.dma_semaphore, #tpu.memory_space<semaphore_mem>>) attributes {dimension_semantics = [#tpu.dimension_semantics<core_parallel>, #tpu.dimension_semantics<subcore_parallel>], iteration_bounds = array<i64: 2, 16>, scalar_prefetch = 0 : i64, scratch_operands = 5 : i64, tpu.core_type = #tpu.core_type<sc_vector_subcore>, window_params = [{transform_indices = #map}, {transform_indices = #map1}, {transform_indices = #map}]} {
    %mul3A = arith.constant 2 : i32
    %mul3A_0 = arith.muli %arg1, %mul3A : i32
    %add3A = arith.addi %mul3A_0, %arg0 : i32
    %mul3A_1 = arith.constant 392 : i32
    %mul3A_2 = arith.muli %add3A, %mul3A_1 : i32
    %dma_start3A = tpu.memref_slice %arg3[%mul3A_2] : memref<12544xi32, #tpu.memory_space<hbm>> -> memref<392xi32, #tpu.memory_space<hbm>>
    %dma_start3A_3 = tpu.memref_slice %arg3[%mul3A_2] : memref<12544xi32, #tpu.memory_space<hbm>> -> memref<392xi32, #tpu.memory_space<hbm>>
    tpu.enqueue_dma source(%dma_start3A_3 : memref<392xi32, #tpu.memory_space<hbm>>) target(%arg5 : memref<392xi32, #tpu.memory_space<vmem>>) target_semaphore(%arg9 : memref<!tpu.dma_semaphore, #tpu.memory_space<semaphore_mem>>)
    %dma_wait3A = tpu.memref_slice %arg3[%mul3A_2] : memref<12544xi32, #tpu.memory_space<hbm>> -> memref<392xi32, #tpu.memory_space<hbm>>
    %dma_wait3A_4 = tpu.memref_slice %arg3[%mul3A_2] : memref<12544xi32, #tpu.memory_space<hbm>> -> memref<392xi32, #tpu.memory_space<hbm>>
    tpu.wait_dma2 semaphore(%arg9 : memref<!tpu.dma_semaphore, #tpu.memory_space<semaphore_mem>>) src(%dma_wait3A_4 : memref<392xi32, #tpu.memory_space<hbm>>) dst(%arg5 : memref<392xi32, #tpu.memory_space<vmem>>)
    %dma_start3A_5 = arith.constant 0 : i32
    %dma_start3A_6 = arith.constant 0 : i32
    %dma_start3A_7 = arith.constant 0 : i32
    %dma_start3A_8 = tpu.memref_slice %arg6[%dma_start3A_5, %dma_start3A_6, %dma_start3A_7] : memref<2x56x128xf32, #tpu.memory_space<vmem>> -> memref<1x56x128xf32, #tpu.memory_space<vmem>>
    %dma_start3A_9 = tpu.memref_squeeze %dma_start3A_8 : memref<1x56x128xf32, #tpu.memory_space<vmem>> -> memref<56x128xf32, #tpu.memory_space<vmem>>
    %dma_start3A_10 = arith.constant 0 : i32
    %dma_start3A_11 = tpu.memref_slice %arg5[%dma_start3A_10] : memref<392xi32, #tpu.memory_space<vmem>> -> memref<56xi32, #tpu.memory_space<vmem>>
    %dma_start3A_12 = arith.constant 0 : i32
    %dma_start3A_13 = arith.constant 0 : i32
    %dma_start3A_14 = tpu.memref_slice %arg2[%dma_start3A_12, %dma_start3A_13] : memref<512x128xf32, #tpu.memory_space<hbm>> -> memref<512x128xf32, #tpu.memory_space<hbm>>
    tpu.enqueue_indirect_dma source(%dma_start3A_14 : memref<512x128xf32, #tpu.memory_space<hbm>>) target(%dma_start3A_9 : memref<56x128xf32, #tpu.memory_space<vmem>>) offsets(%dma_start3A_11 : memref<56xi32, #tpu.memory_space<vmem>>) semaphore(%arg7 : memref<!tpu.dma_semaphore, #tpu.memory_space<semaphore_mem>>)
    %dma_wait3A_15 = arith.constant 0 : i32
    %dma_wait3A_16 = arith.constant 0 : i32
    %dma_wait3A_17 = arith.constant 0 : i32
    %dma_wait3A_18 = tpu.memref_slice %arg6[%dma_wait3A_15, %dma_wait3A_16, %dma_wait3A_17] : memref<2x56x128xf32, #tpu.memory_space<vmem>> -> memref<1x56x128xf32, #tpu.memory_space<vmem>>
    %dma_wait3A_19 = tpu.memref_squeeze %dma_wait3A_18 : memref<1x56x128xf32, #tpu.memory_space<vmem>> -> memref<56x128xf32, #tpu.memory_space<vmem>>
    %dma_wait3A_20 = arith.constant 0 : i32
    %dma_wait3A_21 = tpu.memref_slice %arg5[%dma_wait3A_20] : memref<392xi32, #tpu.memory_space<vmem>> -> memref<56xi32, #tpu.memory_space<vmem>>
    %dma_wait3A_22 = arith.constant 0 : i32
    %dma_wait3A_23 = arith.constant 0 : i32
    %dma_wait3A_24 = tpu.memref_slice %arg2[%dma_wait3A_22, %dma_wait3A_23] : memref<512x128xf32, #tpu.memory_space<hbm>> -> memref<512x128xf32, #tpu.memory_space<hbm>>
    tpu.wait_indirect_dma semaphore(%arg7 : memref<!tpu.dma_semaphore, #tpu.memory_space<semaphore_mem>>) src(%dma_wait3A_24 : memref<512x128xf32, #tpu.memory_space<hbm>>) dst(%dma_wait3A_19 : memref<56x128xf32, #tpu.memory_space<vmem>>)
    %dma_start3A_25 = arith.constant 1 : i32
    %dma_start3A_26 = arith.constant 0 : i32
    %dma_start3A_27 = arith.constant 0 : i32
    %dma_start3A_28 = tpu.memref_slice %arg6[%dma_start3A_25, %dma_start3A_26, %dma_start3A_27] : memref<2x56x128xf32, #tpu.memory_space<vmem>> -> memref<1x56x128xf32, #tpu.memory_space<vmem>>
    %dma_start3A_29 = tpu.memref_squeeze %dma_start3A_28 : memref<1x56x128xf32, #tpu.memory_space<vmem>> -> memref<56x128xf32, #tpu.memory_space<vmem>>
    %dma_start3A_30 = arith.constant 56 : i32
    %dma_start3A_31 = tpu.memref_slice %arg5[%dma_start3A_30] : memref<392xi32, #tpu.memory_space<vmem>> -> memref<56xi32, #tpu.memory_space<vmem>>
    %dma_start3A_32 = arith.constant 0 : i32
    %dma_start3A_33 = arith.constant 0 : i32
    %dma_start3A_34 = tpu.memref_slice %arg2[%dma_start3A_32, %dma_start3A_33] : memref<512x128xf32, #tpu.memory_space<hbm>> -> memref<512x128xf32, #tpu.memory_space<hbm>>
    tpu.enqueue_indirect_dma source(%dma_start3A_34 : memref<512x128xf32, #tpu.memory_space<hbm>>) target(%dma_start3A_29 : memref<56x128xf32, #tpu.memory_space<vmem>>) offsets(%dma_start3A_31 : memref<56xi32, #tpu.memory_space<vmem>>) semaphore(%arg7 : memref<!tpu.dma_semaphore, #tpu.memory_space<semaphore_mem>>)
    %add3A_35 = arith.constant 0 : i32
    %add3A_36 = arith.addi %mul3A_2, %add3A_35 : i32
    %dma_start3A_37 = arith.constant 0 : i32
    %dma_start3A_38 = arith.constant 0 : i32
    %dma_start3A_39 = arith.constant 0 : i32
    %dma_start3A_40 = tpu.memref_slice %arg6[%dma_start3A_37, %dma_start3A_38, %dma_start3A_39] : memref<2x56x128xf32, #tpu.memory_space<vmem>> -> memref<1x56x128xf32, #tpu.memory_space<vmem>>
    %dma_start3A_41 = tpu.memref_squeeze %dma_start3A_40 : memref<1x56x128xf32, #tpu.memory_space<vmem>> -> memref<56x128xf32, #tpu.memory_space<vmem>>
    %dma_start3A_42 = arith.constant 0 : i32
    %dma_start3A_43 = tpu.memref_slice %arg4[%add3A_36, %dma_start3A_42] : memref<12544x128xf32, #tpu.memory_space<hbm>> -> memref<56x128xf32, #tpu.memory_space<hbm>>
    %dma_start3A_44 = arith.constant 0 : i32
    %dma_start3A_45 = tpu.memref_slice %arg4[%add3A_36, %dma_start3A_44] : memref<12544x128xf32, #tpu.memory_space<hbm>> -> memref<56x128xf32, #tpu.memory_space<hbm>>
    %dma_start3A_46 = arith.constant 0 : i32
    %dma_start3A_47 = arith.constant 0 : i32
    %dma_start3A_48 = tpu.memref_slice %arg6[%dma_start3A_37, %dma_start3A_46, %dma_start3A_47] : memref<2x56x128xf32, #tpu.memory_space<vmem>> -> memref<1x56x128xf32, #tpu.memory_space<vmem>>
    %dma_start3A_49 = tpu.memref_squeeze %dma_start3A_48 : memref<1x56x128xf32, #tpu.memory_space<vmem>> -> memref<56x128xf32, #tpu.memory_space<vmem>>
    tpu.enqueue_dma source(%dma_start3A_49 : memref<56x128xf32, #tpu.memory_space<vmem>>) target(%dma_start3A_45 : memref<56x128xf32, #tpu.memory_space<hbm>>) target_semaphore(%arg8 : memref<!tpu.dma_semaphore, #tpu.memory_space<semaphore_mem>>)
    %dma_wait3A_50 = arith.constant 1 : i32
    %dma_wait3A_51 = arith.constant 0 : i32
    %dma_wait3A_52 = arith.constant 0 : i32
    %dma_wait3A_53 = tpu.memref_slice %arg6[%dma_wait3A_50, %dma_wait3A_51, %dma_wait3A_52] : memref<2x56x128xf32, #tpu.memory_space<vmem>> -> memref<1x56x128xf32, #tpu.memory_space<vmem>>
    %dma_wait3A_54 = tpu.memref_squeeze %dma_wait3A_53 : memref<1x56x128xf32, #tpu.memory_space<vmem>> -> memref<56x128xf32, #tpu.memory_space<vmem>>
    %dma_wait3A_55 = arith.constant 56 : i32
    %dma_wait3A_56 = tpu.memref_slice %arg5[%dma_wait3A_55] : memref<392xi32, #tpu.memory_space<vmem>> -> memref<56xi32, #tpu.memory_space<vmem>>
    %dma_wait3A_57 = arith.constant 0 : i32
    %dma_wait3A_58 = arith.constant 0 : i32
    %dma_wait3A_59 = tpu.memref_slice %arg2[%dma_wait3A_57, %dma_wait3A_58] : memref<512x128xf32, #tpu.memory_space<hbm>> -> memref<512x128xf32, #tpu.memory_space<hbm>>
    tpu.wait_indirect_dma semaphore(%arg7 : memref<!tpu.dma_semaphore, #tpu.memory_space<semaphore_mem>>) src(%dma_wait3A_59 : memref<512x128xf32, #tpu.memory_space<hbm>>) dst(%dma_wait3A_54 : memref<56x128xf32, #tpu.memory_space<vmem>>)
    %add3A_60 = arith.constant 0 : i32
    %add3A_61 = arith.addi %mul3A_2, %add3A_60 : i32
    %dma_wait3A_62 = arith.constant 0 : i32
    %dma_wait3A_63 = arith.constant 0 : i32
    %dma_wait3A_64 = arith.constant 0 : i32
    %dma_wait3A_65 = tpu.memref_slice %arg6[%dma_wait3A_62, %dma_wait3A_63, %dma_wait3A_64] : memref<2x56x128xf32, #tpu.memory_space<vmem>> -> memref<1x56x128xf32, #tpu.memory_space<vmem>>
    %dma_wait3A_66 = tpu.memref_squeeze %dma_wait3A_65 : memref<1x56x128xf32, #tpu.memory_space<vmem>> -> memref<56x128xf32, #tpu.memory_space<vmem>>
    %dma_wait3A_67 = arith.constant 0 : i32
    %dma_wait3A_68 = tpu.memref_slice %arg4[%add3A_61, %dma_wait3A_67] : memref<12544x128xf32, #tpu.memory_space<hbm>> -> memref<56x128xf32, #tpu.memory_space<hbm>>
    %dma_wait3A_69 = arith.constant 0 : i32
    %dma_wait3A_70 = tpu.memref_slice %arg4[%add3A_61, %dma_wait3A_69] : memref<12544x128xf32, #tpu.memory_space<hbm>> -> memref<56x128xf32, #tpu.memory_space<hbm>>
    %dma_wait3A_71 = arith.constant 0 : i32
    %dma_wait3A_72 = arith.constant 0 : i32
    %dma_wait3A_73 = tpu.memref_slice %arg6[%dma_wait3A_62, %dma_wait3A_71, %dma_wait3A_72] : memref<2x56x128xf32, #tpu.memory_space<vmem>> -> memref<1x56x128xf32, #tpu.memory_space<vmem>>
    %dma_wait3A_74 = tpu.memref_squeeze %dma_wait3A_73 : memref<1x56x128xf32, #tpu.memory_space<vmem>> -> memref<56x128xf32, #tpu.memory_space<vmem>>
    tpu.wait_dma2 semaphore(%arg8 : memref<!tpu.dma_semaphore, #tpu.memory_space<semaphore_mem>>) src(%dma_wait3A_74 : memref<56x128xf32, #tpu.memory_space<vmem>>) dst(%dma_wait3A_70 : memref<56x128xf32, #tpu.memory_space<hbm>>)
    %dma_start3A_75 = arith.constant 0 : i32
    %dma_start3A_76 = arith.constant 0 : i32
    %dma_start3A_77 = arith.constant 0 : i32
    %dma_start3A_78 = tpu.memref_slice %arg6[%dma_start3A_75, %dma_start3A_76, %dma_start3A_77] : memref<2x56x128xf32, #tpu.memory_space<vmem>> -> memref<1x56x128xf32, #tpu.memory_space<vmem>>
    %dma_start3A_79 = tpu.memref_squeeze %dma_start3A_78 : memref<1x56x128xf32, #tpu.memory_space<vmem>> -> memref<56x128xf32, #tpu.memory_space<vmem>>
    %dma_start3A_80 = arith.constant 112 : i32
    %dma_start3A_81 = tpu.memref_slice %arg5[%dma_start3A_80] : memref<392xi32, #tpu.memory_space<vmem>> -> memref<56xi32, #tpu.memory_space<vmem>>
    %dma_start3A_82 = arith.constant 0 : i32
    %dma_start3A_83 = arith.constant 0 : i32
    %dma_start3A_84 = tpu.memref_slice %arg2[%dma_start3A_82, %dma_start3A_83] : memref<512x128xf32, #tpu.memory_space<hbm>> -> memref<512x128xf32, #tpu.memory_space<hbm>>
    tpu.enqueue_indirect_dma source(%dma_start3A_84 : memref<512x128xf32, #tpu.memory_space<hbm>>) target(%dma_start3A_79 : memref<56x128xf32, #tpu.memory_space<vmem>>) offsets(%dma_start3A_81 : memref<56xi32, #tpu.memory_space<vmem>>) semaphore(%arg7 : memref<!tpu.dma_semaphore, #tpu.memory_space<semaphore_mem>>)
    %add3A_85 = arith.constant 56 : i32
    %add3A_86 = arith.addi %mul3A_2, %add3A_85 : i32
    %dma_start3A_87 = arith.constant 1 : i32
    %dma_start3A_88 = arith.constant 0 : i32
    %dma_start3A_89 = arith.constant 0 : i32
    %dma_start3A_90 = tpu.memref_slice %arg6[%dma_start3A_87, %dma_start3A_88, %dma_start3A_89] : memref<2x56x128xf32, #tpu.memory_space<vmem>> -> memref<1x56x128xf32, #tpu.memory_space<vmem>>
    %dma_start3A_91 = tpu.memref_squeeze %dma_start3A_90 : memref<1x56x128xf32, #tpu.memory_space<vmem>> -> memref<56x128xf32, #tpu.memory_space<vmem>>
    %dma_start3A_92 = arith.constant 0 : i32
    %dma_start3A_93 = tpu.memref_slice %arg4[%add3A_86, %dma_start3A_92] : memref<12544x128xf32, #tpu.memory_space<hbm>> -> memref<56x128xf32, #tpu.memory_space<hbm>>
    %dma_start3A_94 = arith.constant 0 : i32
    %dma_start3A_95 = tpu.memref_slice %arg4[%add3A_86, %dma_start3A_94] : memref<12544x128xf32, #tpu.memory_space<hbm>> -> memref<56x128xf32, #tpu.memory_space<hbm>>
    %dma_start3A_96 = arith.constant 0 : i32
    %dma_start3A_97 = arith.constant 0 : i32
    %dma_start3A_98 = tpu.memref_slice %arg6[%dma_start3A_87, %dma_start3A_96, %dma_start3A_97] : memref<2x56x128xf32, #tpu.memory_space<vmem>> -> memref<1x56x128xf32, #tpu.memory_space<vmem>>
    %dma_start3A_99 = tpu.memref_squeeze %dma_start3A_98 : memref<1x56x128xf32, #tpu.memory_space<vmem>> -> memref<56x128xf32, #tpu.memory_space<vmem>>
    tpu.enqueue_dma source(%dma_start3A_99 : memref<56x128xf32, #tpu.memory_space<vmem>>) target(%dma_start3A_95 : memref<56x128xf32, #tpu.memory_space<hbm>>) target_semaphore(%arg8 : memref<!tpu.dma_semaphore, #tpu.memory_space<semaphore_mem>>)
    %dma_wait3A_100 = arith.constant 0 : i32
    %dma_wait3A_101 = arith.constant 0 : i32
    %dma_wait3A_102 = arith.constant 0 : i32
    %dma_wait3A_103 = tpu.memref_slice %arg6[%dma_wait3A_100, %dma_wait3A_101, %dma_wait3A_102] : memref<2x56x128xf32, #tpu.memory_space<vmem>> -> memref<1x56x128xf32, #tpu.memory_space<vmem>>
    %dma_wait3A_104 = tpu.memref_squeeze %dma_wait3A_103 : memref<1x56x128xf32, #tpu.memory_space<vmem>> -> memref<56x128xf32, #tpu.memory_space<vmem>>
    %dma_wait3A_105 = arith.constant 112 : i32
    %dma_wait3A_106 = tpu.memref_slice %arg5[%dma_wait3A_105] : memref<392xi32, #tpu.memory_space<vmem>> -> memref<56xi32, #tpu.memory_space<vmem>>
    %dma_wait3A_107 = arith.constant 0 : i32
    %dma_wait3A_108 = arith.constant 0 : i32
    %dma_wait3A_109 = tpu.memref_slice %arg2[%dma_wait3A_107, %dma_wait3A_108] : memref<512x128xf32, #tpu.memory_space<hbm>> -> memref<512x128xf32, #tpu.memory_space<hbm>>
    tpu.wait_indirect_dma semaphore(%arg7 : memref<!tpu.dma_semaphore, #tpu.memory_space<semaphore_mem>>) src(%dma_wait3A_109 : memref<512x128xf32, #tpu.memory_space<hbm>>) dst(%dma_wait3A_104 : memref<56x128xf32, #tpu.memory_space<vmem>>)
    %add3A_110 = arith.constant 56 : i32
    %add3A_111 = arith.addi %mul3A_2, %add3A_110 : i32
    %dma_wait3A_112 = arith.constant 1 : i32
    %dma_wait3A_113 = arith.constant 0 : i32
    %dma_wait3A_114 = arith.constant 0 : i32
    %dma_wait3A_115 = tpu.memref_slice %arg6[%dma_wait3A_112, %dma_wait3A_113, %dma_wait3A_114] : memref<2x56x128xf32, #tpu.memory_space<vmem>> -> memref<1x56x128xf32, #tpu.memory_space<vmem>>
    %dma_wait3A_116 = tpu.memref_squeeze %dma_wait3A_115 : memref<1x56x128xf32, #tpu.memory_space<vmem>> -> memref<56x128xf32, #tpu.memory_space<vmem>>
    %dma_wait3A_117 = arith.constant 0 : i32
    %dma_wait3A_118 = tpu.memref_slice %arg4[%add3A_111, %dma_wait3A_117] : memref<12544x128xf32, #tpu.memory_space<hbm>> -> memref<56x128xf32, #tpu.memory_space<hbm>>
    %dma_wait3A_119 = arith.constant 0 : i32
    %dma_wait3A_120 = tpu.memref_slice %arg4[%add3A_111, %dma_wait3A_119] : memref<12544x128xf32, #tpu.memory_space<hbm>> -> memref<56x128xf32, #tpu.memory_space<hbm>>
    %dma_wait3A_121 = arith.constant 0 : i32
    %dma_wait3A_122 = arith.constant 0 : i32
    %dma_wait3A_123 = tpu.memref_slice %arg6[%dma_wait3A_112, %dma_wait3A_121, %dma_wait3A_122] : memref<2x56x128xf32, #tpu.memory_space<vmem>> -> memref<1x56x128xf32, #tpu.memory_space<vmem>>
    %dma_wait3A_124 = tpu.memref_squeeze %dma_wait3A_123 : memref<1x56x128xf32, #tpu.memory_space<vmem>> -> memref<56x128xf32, #tpu.memory_space<vmem>>
    tpu.wait_dma2 semaphore(%arg8 : memref<!tpu.dma_semaphore, #tpu.memory_space<semaphore_mem>>) src(%dma_wait3A_124 : memref<56x128xf32, #tpu.memory_space<vmem>>) dst(%dma_wait3A_120 : memref<56x128xf32, #tpu.memory_space<hbm>>)
    %dma_start3A_125 = arith.constant 1 : i32
    %dma_start3A_126 = arith.constant 0 : i32
    %dma_start3A_127 = arith.constant 0 : i32
    %dma_start3A_128 = tpu.memref_slice %arg6[%dma_start3A_125, %dma_start3A_126, %dma_start3A_127] : memref<2x56x128xf32, #tpu.memory_space<vmem>> -> memref<1x56x128xf32, #tpu.memory_space<vmem>>
    %dma_start3A_129 = tpu.memref_squeeze %dma_start3A_128 : memref<1x56x128xf32, #tpu.memory_space<vmem>> -> memref<56x128xf32, #tpu.memory_space<vmem>>
    %dma_start3A_130 = arith.constant 168 : i32
    %dma_start3A_131 = tpu.memref_slice %arg5[%dma_start3A_130] : memref<392xi32, #tpu.memory_space<vmem>> -> memref<56xi32, #tpu.memory_space<vmem>>
    %dma_start3A_132 = arith.constant 0 : i32
    %dma_start3A_133 = arith.constant 0 : i32
    %dma_start3A_134 = tpu.memref_slice %arg2[%dma_start3A_132, %dma_start3A_133] : memref<512x128xf32, #tpu.memory_space<hbm>> -> memref<512x128xf32, #tpu.memory_space<hbm>>
    tpu.enqueue_indirect_dma source(%dma_start3A_134 : memref<512x128xf32, #tpu.memory_space<hbm>>) target(%dma_start3A_129 : memref<56x128xf32, #tpu.memory_space<vmem>>) offsets(%dma_start3A_131 : memref<56xi32, #tpu.memory_space<vmem>>) semaphore(%arg7 : memref<!tpu.dma_semaphore, #tpu.memory_space<semaphore_mem>>)
    %add3A_135 = arith.constant 112 : i32
    %add3A_136 = arith.addi %mul3A_2, %add3A_135 : i32
    %dma_start3A_137 = arith.constant 0 : i32
    %dma_start3A_138 = arith.constant 0 : i32
    %dma_start3A_139 = arith.constant 0 : i32
    %dma_start3A_140 = tpu.memref_slice %arg6[%dma_start3A_137, %dma_start3A_138, %dma_start3A_139] : memref<2x56x128xf32, #tpu.memory_space<vmem>> -> memref<1x56x128xf32, #tpu.memory_space<vmem>>
    %dma_start3A_141 = tpu.memref_squeeze %dma_start3A_140 : memref<1x56x128xf32, #tpu.memory_space<vmem>> -> memref<56x128xf32, #tpu.memory_space<vmem>>
    %dma_start3A_142 = arith.constant 0 : i32
    %dma_start3A_143 = tpu.memref_slice %arg4[%add3A_136, %dma_start3A_142] : memref<12544x128xf32, #tpu.memory_space<hbm>> -> memref<56x128xf32, #tpu.memory_space<hbm>>
    %dma_start3A_144 = arith.constant 0 : i32
    %dma_start3A_145 = tpu.memref_slice %arg4[%add3A_136, %dma_start3A_144] : memref<12544x128xf32, #tpu.memory_space<hbm>> -> memref<56x128xf32, #tpu.memory_space<hbm>>
    %dma_start3A_146 = arith.constant 0 : i32
    %dma_start3A_147 = arith.constant 0 : i32
    %dma_start3A_148 = tpu.memref_slice %arg6[%dma_start3A_137, %dma_start3A_146, %dma_start3A_147] : memref<2x56x128xf32, #tpu.memory_space<vmem>> -> memref<1x56x128xf32, #tpu.memory_space<vmem>>
    %dma_start3A_149 = tpu.memref_squeeze %dma_start3A_148 : memref<1x56x128xf32, #tpu.memory_space<vmem>> -> memref<56x128xf32, #tpu.memory_space<vmem>>
    tpu.enqueue_dma source(%dma_start3A_149 : memref<56x128xf32, #tpu.memory_space<vmem>>) target(%dma_start3A_145 : memref<56x128xf32, #tpu.memory_space<hbm>>) target_semaphore(%arg8 : memref<!tpu.dma_semaphore, #tpu.memory_space<semaphore_mem>>)
    %dma_wait3A_150 = arith.constant 1 : i32
    %dma_wait3A_151 = arith.constant 0 : i32
    %dma_wait3A_152 = arith.constant 0 : i32
    %dma_wait3A_153 = tpu.memref_slice %arg6[%dma_wait3A_150, %dma_wait3A_151, %dma_wait3A_152] : memref<2x56x128xf32, #tpu.memory_space<vmem>> -> memref<1x56x128xf32, #tpu.memory_space<vmem>>
    %dma_wait3A_154 = tpu.memref_squeeze %dma_wait3A_153 : memref<1x56x128xf32, #tpu.memory_space<vmem>> -> memref<56x128xf32, #tpu.memory_space<vmem>>
    %dma_wait3A_155 = arith.constant 168 : i32
    %dma_wait3A_156 = tpu.memref_slice %arg5[%dma_wait3A_155] : memref<392xi32, #tpu.memory_space<vmem>> -> memref<56xi32, #tpu.memory_space<vmem>>
    %dma_wait3A_157 = arith.constant 0 : i32
    %dma_wait3A_158 = arith.constant 0 : i32
    %dma_wait3A_159 = tpu.memref_slice %arg2[%dma_wait3A_157, %dma_wait3A_158] : memref<512x128xf32, #tpu.memory_space<hbm>> -> memref<512x128xf32, #tpu.memory_space<hbm>>
    tpu.wait_indirect_dma semaphore(%arg7 : memref<!tpu.dma_semaphore, #tpu.memory_space<semaphore_mem>>) src(%dma_wait3A_159 : memref<512x128xf32, #tpu.memory_space<hbm>>) dst(%dma_wait3A_154 : memref<56x128xf32, #tpu.memory_space<vmem>>)
    %add3A_160 = arith.constant 112 : i32
    %add3A_161 = arith.addi %mul3A_2, %add3A_160 : i32
    %dma_wait3A_162 = arith.constant 0 : i32
    %dma_wait3A_163 = arith.constant 0 : i32
    %dma_wait3A_164 = arith.constant 0 : i32
    %dma_wait3A_165 = tpu.memref_slice %arg6[%dma_wait3A_162, %dma_wait3A_163, %dma_wait3A_164] : memref<2x56x128xf32, #tpu.memory_space<vmem>> -> memref<1x56x128xf32, #tpu.memory_space<vmem>>
    %dma_wait3A_166 = tpu.memref_squeeze %dma_wait3A_165 : memref<1x56x128xf32, #tpu.memory_space<vmem>> -> memref<56x128xf32, #tpu.memory_space<vmem>>
    %dma_wait3A_167 = arith.constant 0 : i32
    %dma_wait3A_168 = tpu.memref_slice %arg4[%add3A_161, %dma_wait3A_167] : memref<12544x128xf32, #tpu.memory_space<hbm>> -> memref<56x128xf32, #tpu.memory_space<hbm>>
    %dma_wait3A_169 = arith.constant 0 : i32
    %dma_wait3A_170 = tpu.memref_slice %arg4[%add3A_161, %dma_wait3A_169] : memref<12544x128xf32, #tpu.memory_space<hbm>> -> memref<56x128xf32, #tpu.memory_space<hbm>>
    %dma_wait3A_171 = arith.constant 0 : i32
    %dma_wait3A_172 = arith.constant 0 : i32
    %dma_wait3A_173 = tpu.memref_slice %arg6[%dma_wait3A_162, %dma_wait3A_171, %dma_wait3A_172] : memref<2x56x128xf32, #tpu.memory_space<vmem>> -> memref<1x56x128xf32, #tpu.memory_space<vmem>>
    %dma_wait3A_174 = tpu.memref_squeeze %dma_wait3A_173 : memref<1x56x128xf32, #tpu.memory_space<vmem>> -> memref<56x128xf32, #tpu.memory_space<vmem>>
    tpu.wait_dma2 semaphore(%arg8 : memref<!tpu.dma_semaphore, #tpu.memory_space<semaphore_mem>>) src(%dma_wait3A_174 : memref<56x128xf32, #tpu.memory_space<vmem>>) dst(%dma_wait3A_170 : memref<56x128xf32, #tpu.memory_space<hbm>>)
    %dma_start3A_175 = arith.constant 0 : i32
    %dma_start3A_176 = arith.constant 0 : i32
    %dma_start3A_177 = arith.constant 0 : i32
    %dma_start3A_178 = tpu.memref_slice %arg6[%dma_start3A_175, %dma_start3A_176, %dma_start3A_177] : memref<2x56x128xf32, #tpu.memory_space<vmem>> -> memref<1x56x128xf32, #tpu.memory_space<vmem>>
    %dma_start3A_179 = tpu.memref_squeeze %dma_start3A_178 : memref<1x56x128xf32, #tpu.memory_space<vmem>> -> memref<56x128xf32, #tpu.memory_space<vmem>>
    %dma_start3A_180 = arith.constant 224 : i32
    %dma_start3A_181 = tpu.memref_slice %arg5[%dma_start3A_180] : memref<392xi32, #tpu.memory_space<vmem>> -> memref<56xi32, #tpu.memory_space<vmem>>
    %dma_start3A_182 = arith.constant 0 : i32
    %dma_start3A_183 = arith.constant 0 : i32
    %dma_start3A_184 = tpu.memref_slice %arg2[%dma_start3A_182, %dma_start3A_183] : memref<512x128xf32, #tpu.memory_space<hbm>> -> memref<512x128xf32, #tpu.memory_space<hbm>>
    tpu.enqueue_indirect_dma source(%dma_start3A_184 : memref<512x128xf32, #tpu.memory_space<hbm>>) target(%dma_start3A_179 : memref<56x128xf32, #tpu.memory_space<vmem>>) offsets(%dma_start3A_181 : memref<56xi32, #tpu.memory_space<vmem>>) semaphore(%arg7 : memref<!tpu.dma_semaphore, #tpu.memory_space<semaphore_mem>>)
    %add3A_185 = arith.constant 168 : i32
    %add3A_186 = arith.addi %mul3A_2, %add3A_185 : i32
    %dma_start3A_187 = arith.constant 1 : i32
    %dma_start3A_188 = arith.constant 0 : i32
    %dma_start3A_189 = arith.constant 0 : i32
    %dma_start3A_190 = tpu.memref_slice %arg6[%dma_start3A_187, %dma_start3A_188, %dma_start3A_189] : memref<2x56x128xf32, #tpu.memory_space<vmem>> -> memref<1x56x128xf32, #tpu.memory_space<vmem>>
    %dma_start3A_191 = tpu.memref_squeeze %dma_start3A_190 : memref<1x56x128xf32, #tpu.memory_space<vmem>> -> memref<56x128xf32, #tpu.memory_space<vmem>>
    %dma_start3A_192 = arith.constant 0 : i32
    %dma_start3A_193 = tpu.memref_slice %arg4[%add3A_186, %dma_start3A_192] : memref<12544x128xf32, #tpu.memory_space<hbm>> -> memref<56x128xf32, #tpu.memory_space<hbm>>
    %dma_start3A_194 = arith.constant 0 : i32
    %dma_start3A_195 = tpu.memref_slice %arg4[%add3A_186, %dma_start3A_194] : memref<12544x128xf32, #tpu.memory_space<hbm>> -> memref<56x128xf32, #tpu.memory_space<hbm>>
    %dma_start3A_196 = arith.constant 0 : i32
    %dma_start3A_197 = arith.constant 0 : i32
    %dma_start3A_198 = tpu.memref_slice %arg6[%dma_start3A_187, %dma_start3A_196, %dma_start3A_197] : memref<2x56x128xf32, #tpu.memory_space<vmem>> -> memref<1x56x128xf32, #tpu.memory_space<vmem>>
    %dma_start3A_199 = tpu.memref_squeeze %dma_start3A_198 : memref<1x56x128xf32, #tpu.memory_space<vmem>> -> memref<56x128xf32, #tpu.memory_space<vmem>>
    tpu.enqueue_dma source(%dma_start3A_199 : memref<56x128xf32, #tpu.memory_space<vmem>>) target(%dma_start3A_195 : memref<56x128xf32, #tpu.memory_space<hbm>>) target_semaphore(%arg8 : memref<!tpu.dma_semaphore, #tpu.memory_space<semaphore_mem>>)
    %dma_wait3A_200 = arith.constant 0 : i32
    %dma_wait3A_201 = arith.constant 0 : i32
    %dma_wait3A_202 = arith.constant 0 : i32
    %dma_wait3A_203 = tpu.memref_slice %arg6[%dma_wait3A_200, %dma_wait3A_201, %dma_wait3A_202] : memref<2x56x128xf32, #tpu.memory_space<vmem>> -> memref<1x56x128xf32, #tpu.memory_space<vmem>>
    %dma_wait3A_204 = tpu.memref_squeeze %dma_wait3A_203 : memref<1x56x128xf32, #tpu.memory_space<vmem>> -> memref<56x128xf32, #tpu.memory_space<vmem>>
    %dma_wait3A_205 = arith.constant 224 : i32
    %dma_wait3A_206 = tpu.memref_slice %arg5[%dma_wait3A_205] : memref<392xi32, #tpu.memory_space<vmem>> -> memref<56xi32, #tpu.memory_space<vmem>>
    %dma_wait3A_207 = arith.constant 0 : i32
    %dma_wait3A_208 = arith.constant 0 : i32
    %dma_wait3A_209 = tpu.memref_slice %arg2[%dma_wait3A_207, %dma_wait3A_208] : memref<512x128xf32, #tpu.memory_space<hbm>> -> memref<512x128xf32, #tpu.memory_space<hbm>>
    tpu.wait_indirect_dma semaphore(%arg7 : memref<!tpu.dma_semaphore, #tpu.memory_space<semaphore_mem>>) src(%dma_wait3A_209 : memref<512x128xf32, #tpu.memory_space<hbm>>) dst(%dma_wait3A_204 : memref<56x128xf32, #tpu.memory_space<vmem>>)
    %add3A_210 = arith.constant 168 : i32
    %add3A_211 = arith.addi %mul3A_2, %add3A_210 : i32
    %dma_wait3A_212 = arith.constant 1 : i32
    %dma_wait3A_213 = arith.constant 0 : i32
    %dma_wait3A_214 = arith.constant 0 : i32
    %dma_wait3A_215 = tpu.memref_slice %arg6[%dma_wait3A_212, %dma_wait3A_213, %dma_wait3A_214] : memref<2x56x128xf32, #tpu.memory_space<vmem>> -> memref<1x56x128xf32, #tpu.memory_space<vmem>>
    %dma_wait3A_216 = tpu.memref_squeeze %dma_wait3A_215 : memref<1x56x128xf32, #tpu.memory_space<vmem>> -> memref<56x128xf32, #tpu.memory_space<vmem>>
    %dma_wait3A_217 = arith.constant 0 : i32
    %dma_wait3A_218 = tpu.memref_slice %arg4[%add3A_211, %dma_wait3A_217] : memref<12544x128xf32, #tpu.memory_space<hbm>> -> memref<56x128xf32, #tpu.memory_space<hbm>>
    %dma_wait3A_219 = arith.constant 0 : i32
    %dma_wait3A_220 = tpu.memref_slice %arg4[%add3A_211, %dma_wait3A_219] : memref<12544x128xf32, #tpu.memory_space<hbm>> -> memref<56x128xf32, #tpu.memory_space<hbm>>
    %dma_wait3A_221 = arith.constant 0 : i32
    %dma_wait3A_222 = arith.constant 0 : i32
    %dma_wait3A_223 = tpu.memref_slice %arg6[%dma_wait3A_212, %dma_wait3A_221, %dma_wait3A_222] : memref<2x56x128xf32, #tpu.memory_space<vmem>> -> memref<1x56x128xf32, #tpu.memory_space<vmem>>
    %dma_wait3A_224 = tpu.memref_squeeze %dma_wait3A_223 : memref<1x56x128xf32, #tpu.memory_space<vmem>> -> memref<56x128xf32, #tpu.memory_space<vmem>>
    tpu.wait_dma2 semaphore(%arg8 : memref<!tpu.dma_semaphore, #tpu.memory_space<semaphore_mem>>) src(%dma_wait3A_224 : memref<56x128xf32, #tpu.memory_space<vmem>>) dst(%dma_wait3A_220 : memref<56x128xf32, #tpu.memory_space<hbm>>)
    %dma_start3A_225 = arith.constant 1 : i32
    %dma_start3A_226 = arith.constant 0 : i32
    %dma_start3A_227 = arith.constant 0 : i32
    %dma_start3A_228 = tpu.memref_slice %arg6[%dma_start3A_225, %dma_start3A_226, %dma_start3A_227] : memref<2x56x128xf32, #tpu.memory_space<vmem>> -> memref<1x56x128xf32, #tpu.memory_space<vmem>>
    %dma_start3A_229 = tpu.memref_squeeze %dma_start3A_228 : memref<1x56x128xf32, #tpu.memory_space<vmem>> -> memref<56x128xf32, #tpu.memory_space<vmem>>
    %dma_start3A_230 = arith.constant 280 : i32
    %dma_start3A_231 = tpu.memref_slice %arg5[%dma_start3A_230] : memref<392xi32, #tpu.memory_space<vmem>> -> memref<56xi32, #tpu.memory_space<vmem>>
    %dma_start3A_232 = arith.constant 0 : i32
    %dma_start3A_233 = arith.constant 0 : i32
    %dma_start3A_234 = tpu.memref_slice %arg2[%dma_start3A_232, %dma_start3A_233] : memref<512x128xf32, #tpu.memory_space<hbm>> -> memref<512x128xf32, #tpu.memory_space<hbm>>
    tpu.enqueue_indirect_dma source(%dma_start3A_234 : memref<512x128xf32, #tpu.memory_space<hbm>>) target(%dma_start3A_229 : memref<56x128xf32, #tpu.memory_space<vmem>>) offsets(%dma_start3A_231 : memref<56xi32, #tpu.memory_space<vmem>>) semaphore(%arg7 : memref<!tpu.dma_semaphore, #tpu.memory_space<semaphore_mem>>)
    %add3A_235 = arith.constant 224 : i32
    %add3A_236 = arith.addi %mul3A_2, %add3A_235 : i32
    %dma_start3A_237 = arith.constant 0 : i32
    %dma_start3A_238 = arith.constant 0 : i32
    %dma_start3A_239 = arith.constant 0 : i32
    %dma_start3A_240 = tpu.memref_slice %arg6[%dma_start3A_237, %dma_start3A_238, %dma_start3A_239] : memref<2x56x128xf32, #tpu.memory_space<vmem>> -> memref<1x56x128xf32, #tpu.memory_space<vmem>>
    %dma_start3A_241 = tpu.memref_squeeze %dma_start3A_240 : memref<1x56x128xf32, #tpu.memory_space<vmem>> -> memref<56x128xf32, #tpu.memory_space<vmem>>
    %dma_start3A_242 = arith.constant 0 : i32
    %dma_start3A_243 = tpu.memref_slice %arg4[%add3A_236, %dma_start3A_242] : memref<12544x128xf32, #tpu.memory_space<hbm>> -> memref<56x128xf32, #tpu.memory_space<hbm>>
    %dma_start3A_244 = arith.constant 0 : i32
    %dma_start3A_245 = tpu.memref_slice %arg4[%add3A_236, %dma_start3A_244] : memref<12544x128xf32, #tpu.memory_space<hbm>> -> memref<56x128xf32, #tpu.memory_space<hbm>>
    %dma_start3A_246 = arith.constant 0 : i32
    %dma_start3A_247 = arith.constant 0 : i32
    %dma_start3A_248 = tpu.memref_slice %arg6[%dma_start3A_237, %dma_start3A_246, %dma_start3A_247] : memref<2x56x128xf32, #tpu.memory_space<vmem>> -> memref<1x56x128xf32, #tpu.memory_space<vmem>>
    %dma_start3A_249 = tpu.memref_squeeze %dma_start3A_248 : memref<1x56x128xf32, #tpu.memory_space<vmem>> -> memref<56x128xf32, #tpu.memory_space<vmem>>
    tpu.enqueue_dma source(%dma_start3A_249 : memref<56x128xf32, #tpu.memory_space<vmem>>) target(%dma_start3A_245 : memref<56x128xf32, #tpu.memory_space<hbm>>) target_semaphore(%arg8 : memref<!tpu.dma_semaphore, #tpu.memory_space<semaphore_mem>>)
    %dma_wait3A_250 = arith.constant 1 : i32
    %dma_wait3A_251 = arith.constant 0 : i32
    %dma_wait3A_252 = arith.constant 0 : i32
    %dma_wait3A_253 = tpu.memref_slice %arg6[%dma_wait3A_250, %dma_wait3A_251, %dma_wait3A_252] : memref<2x56x128xf32, #tpu.memory_space<vmem>> -> memref<1x56x128xf32, #tpu.memory_space<vmem>>
    %dma_wait3A_254 = tpu.memref_squeeze %dma_wait3A_253 : memref<1x56x128xf32, #tpu.memory_space<vmem>> -> memref<56x128xf32, #tpu.memory_space<vmem>>
    %dma_wait3A_255 = arith.constant 280 : i32
    %dma_wait3A_256 = tpu.memref_slice %arg5[%dma_wait3A_255] : memref<392xi32, #tpu.memory_space<vmem>> -> memref<56xi32, #tpu.memory_space<vmem>>
    %dma_wait3A_257 = arith.constant 0 : i32
    %dma_wait3A_258 = arith.constant 0 : i32
    %dma_wait3A_259 = tpu.memref_slice %arg2[%dma_wait3A_257, %dma_wait3A_258] : memref<512x128xf32, #tpu.memory_space<hbm>> -> memref<512x128xf32, #tpu.memory_space<hbm>>
    tpu.wait_indirect_dma semaphore(%arg7 : memref<!tpu.dma_semaphore, #tpu.memory_space<semaphore_mem>>) src(%dma_wait3A_259 : memref<512x128xf32, #tpu.memory_space<hbm>>) dst(%dma_wait3A_254 : memref<56x128xf32, #tpu.memory_space<vmem>>)
    %add3A_260 = arith.constant 224 : i32
    %add3A_261 = arith.addi %mul3A_2, %add3A_260 : i32
    %dma_wait3A_262 = arith.constant 0 : i32
    %dma_wait3A_263 = arith.constant 0 : i32
    %dma_wait3A_264 = arith.constant 0 : i32
    %dma_wait3A_265 = tpu.memref_slice %arg6[%dma_wait3A_262, %dma_wait3A_263, %dma_wait3A_264] : memref<2x56x128xf32, #tpu.memory_space<vmem>> -> memref<1x56x128xf32, #tpu.memory_space<vmem>>
    %dma_wait3A_266 = tpu.memref_squeeze %dma_wait3A_265 : memref<1x56x128xf32, #tpu.memory_space<vmem>> -> memref<56x128xf32, #tpu.memory_space<vmem>>
    %dma_wait3A_267 = arith.constant 0 : i32
    %dma_wait3A_268 = tpu.memref_slice %arg4[%add3A_261, %dma_wait3A_267] : memref<12544x128xf32, #tpu.memory_space<hbm>> -> memref<56x128xf32, #tpu.memory_space<hbm>>
    %dma_wait3A_269 = arith.constant 0 : i32
    %dma_wait3A_270 = tpu.memref_slice %arg4[%add3A_261, %dma_wait3A_269] : memref<12544x128xf32, #tpu.memory_space<hbm>> -> memref<56x128xf32, #tpu.memory_space<hbm>>
    %dma_wait3A_271 = arith.constant 0 : i32
    %dma_wait3A_272 = arith.constant 0 : i32
    %dma_wait3A_273 = tpu.memref_slice %arg6[%dma_wait3A_262, %dma_wait3A_271, %dma_wait3A_272] : memref<2x56x128xf32, #tpu.memory_space<vmem>> -> memref<1x56x128xf32, #tpu.memory_space<vmem>>
    %dma_wait3A_274 = tpu.memref_squeeze %dma_wait3A_273 : memref<1x56x128xf32, #tpu.memory_space<vmem>> -> memref<56x128xf32, #tpu.memory_space<vmem>>
    tpu.wait_dma2 semaphore(%arg8 : memref<!tpu.dma_semaphore, #tpu.memory_space<semaphore_mem>>) src(%dma_wait3A_274 : memref<56x128xf32, #tpu.memory_space<vmem>>) dst(%dma_wait3A_270 : memref<56x128xf32, #tpu.memory_space<hbm>>)
    %dma_start3A_275 = arith.constant 0 : i32
    %dma_start3A_276 = arith.constant 0 : i32
    %dma_start3A_277 = arith.constant 0 : i32
    %dma_start3A_278 = tpu.memref_slice %arg6[%dma_start3A_275, %dma_start3A_276, %dma_start3A_277] : memref<2x56x128xf32, #tpu.memory_space<vmem>> -> memref<1x56x128xf32, #tpu.memory_space<vmem>>
    %dma_start3A_279 = tpu.memref_squeeze %dma_start3A_278 : memref<1x56x128xf32, #tpu.memory_space<vmem>> -> memref<56x128xf32, #tpu.memory_space<vmem>>
    %dma_start3A_280 = arith.constant 336 : i32
    %dma_start3A_281 = tpu.memref_slice %arg5[%dma_start3A_280] : memref<392xi32, #tpu.memory_space<vmem>> -> memref<56xi32, #tpu.memory_space<vmem>>
    %dma_start3A_282 = arith.constant 0 : i32
    %dma_start3A_283 = arith.constant 0 : i32
    %dma_start3A_284 = tpu.memref_slice %arg2[%dma_start3A_282, %dma_start3A_283] : memref<512x128xf32, #tpu.memory_space<hbm>> -> memref<512x128xf32, #tpu.memory_space<hbm>>
    tpu.enqueue_indirect_dma source(%dma_start3A_284 : memref<512x128xf32, #tpu.memory_space<hbm>>) target(%dma_start3A_279 : memref<56x128xf32, #tpu.memory_space<vmem>>) offsets(%dma_start3A_281 : memref<56xi32, #tpu.memory_space<vmem>>) semaphore(%arg7 : memref<!tpu.dma_semaphore, #tpu.memory_space<semaphore_mem>>)
    %add3A_285 = arith.constant 280 : i32
    %add3A_286 = arith.addi %mul3A_2, %add3A_285 : i32
    %dma_start3A_287 = arith.constant 1 : i32
    %dma_start3A_288 = arith.constant 0 : i32
    %dma_start3A_289 = arith.constant 0 : i32
    %dma_start3A_290 = tpu.memref_slice %arg6[%dma_start3A_287, %dma_start3A_288, %dma_start3A_289] : memref<2x56x128xf32, #tpu.memory_space<vmem>> -> memref<1x56x128xf32, #tpu.memory_space<vmem>>
    %dma_start3A_291 = tpu.memref_squeeze %dma_start3A_290 : memref<1x56x128xf32, #tpu.memory_space<vmem>> -> memref<56x128xf32, #tpu.memory_space<vmem>>
    %dma_start3A_292 = arith.constant 0 : i32
    %dma_start3A_293 = tpu.memref_slice %arg4[%add3A_286, %dma_start3A_292] : memref<12544x128xf32, #tpu.memory_space<hbm>> -> memref<56x128xf32, #tpu.memory_space<hbm>>
    %dma_start3A_294 = arith.constant 0 : i32
    %dma_start3A_295 = tpu.memref_slice %arg4[%add3A_286, %dma_start3A_294] : memref<12544x128xf32, #tpu.memory_space<hbm>> -> memref<56x128xf32, #tpu.memory_space<hbm>>
    %dma_start3A_296 = arith.constant 0 : i32
    %dma_start3A_297 = arith.constant 0 : i32
    %dma_start3A_298 = tpu.memref_slice %arg6[%dma_start3A_287, %dma_start3A_296, %dma_start3A_297] : memref<2x56x128xf32, #tpu.memory_space<vmem>> -> memref<1x56x128xf32, #tpu.memory_space<vmem>>
    %dma_start3A_299 = tpu.memref_squeeze %dma_start3A_298 : memref<1x56x128xf32, #tpu.memory_space<vmem>> -> memref<56x128xf32, #tpu.memory_space<vmem>>
    tpu.enqueue_dma source(%dma_start3A_299 : memref<56x128xf32, #tpu.memory_space<vmem>>) target(%dma_start3A_295 : memref<56x128xf32, #tpu.memory_space<hbm>>) target_semaphore(%arg8 : memref<!tpu.dma_semaphore, #tpu.memory_space<semaphore_mem>>)
    %dma_wait3A_300 = arith.constant 0 : i32
    %dma_wait3A_301 = arith.constant 0 : i32
    %dma_wait3A_302 = arith.constant 0 : i32
    %dma_wait3A_303 = tpu.memref_slice %arg6[%dma_wait3A_300, %dma_wait3A_301, %dma_wait3A_302] : memref<2x56x128xf32, #tpu.memory_space<vmem>> -> memref<1x56x128xf32, #tpu.memory_space<vmem>>
    %dma_wait3A_304 = tpu.memref_squeeze %dma_wait3A_303 : memref<1x56x128xf32, #tpu.memory_space<vmem>> -> memref<56x128xf32, #tpu.memory_space<vmem>>
    %dma_wait3A_305 = arith.constant 336 : i32
    %dma_wait3A_306 = tpu.memref_slice %arg5[%dma_wait3A_305] : memref<392xi32, #tpu.memory_space<vmem>> -> memref<56xi32, #tpu.memory_space<vmem>>
    %dma_wait3A_307 = arith.constant 0 : i32
    %dma_wait3A_308 = arith.constant 0 : i32
    %dma_wait3A_309 = tpu.memref_slice %arg2[%dma_wait3A_307, %dma_wait3A_308] : memref<512x128xf32, #tpu.memory_space<hbm>> -> memref<512x128xf32, #tpu.memory_space<hbm>>
    tpu.wait_indirect_dma semaphore(%arg7 : memref<!tpu.dma_semaphore, #tpu.memory_space<semaphore_mem>>) src(%dma_wait3A_309 : memref<512x128xf32, #tpu.memory_space<hbm>>) dst(%dma_wait3A_304 : memref<56x128xf32, #tpu.memory_space<vmem>>)
    %add3A_310 = arith.constant 280 : i32
    %add3A_311 = arith.addi %mul3A_2, %add3A_310 : i32
    %dma_wait3A_312 = arith.constant 1 : i32
    %dma_wait3A_313 = arith.constant 0 : i32
    %dma_wait3A_314 = arith.constant 0 : i32
    %dma_wait3A_315 = tpu.memref_slice %arg6[%dma_wait3A_312, %dma_wait3A_313, %dma_wait3A_314] : memref<2x56x128xf32, #tpu.memory_space<vmem>> -> memref<1x56x128xf32, #tpu.memory_space<vmem>>
    %dma_wait3A_316 = tpu.memref_squeeze %dma_wait3A_315 : memref<1x56x128xf32, #tpu.memory_space<vmem>> -> memref<56x128xf32, #tpu.memory_space<vmem>>
    %dma_wait3A_317 = arith.constant 0 : i32
    %dma_wait3A_318 = tpu.memref_slice %arg4[%add3A_311, %dma_wait3A_317] : memref<12544x128xf32, #tpu.memory_space<hbm>> -> memref<56x128xf32, #tpu.memory_space<hbm>>
    %dma_wait3A_319 = arith.constant 0 : i32
    %dma_wait3A_320 = tpu.memref_slice %arg4[%add3A_311, %dma_wait3A_319] : memref<12544x128xf32, #tpu.memory_space<hbm>> -> memref<56x128xf32, #tpu.memory_space<hbm>>
    %dma_wait3A_321 = arith.constant 0 : i32
    %dma_wait3A_322 = arith.constant 0 : i32
    %dma_wait3A_323 = tpu.memref_slice %arg6[%dma_wait3A_312, %dma_wait3A_321, %dma_wait3A_322] : memref<2x56x128xf32, #tpu.memory_space<vmem>> -> memref<1x56x128xf32, #tpu.memory_space<vmem>>
    %dma_wait3A_324 = tpu.memref_squeeze %dma_wait3A_323 : memref<1x56x128xf32, #tpu.memory_space<vmem>> -> memref<56x128xf32, #tpu.memory_space<vmem>>
    tpu.wait_dma2 semaphore(%arg8 : memref<!tpu.dma_semaphore, #tpu.memory_space<semaphore_mem>>) src(%dma_wait3A_324 : memref<56x128xf32, #tpu.memory_space<vmem>>) dst(%dma_wait3A_320 : memref<56x128xf32, #tpu.memory_space<hbm>>)
    %add3A_325 = arith.constant 336 : i32
    %add3A_326 = arith.addi %mul3A_2, %add3A_325 : i32
    %dma_start3A_327 = arith.constant 0 : i32
    %dma_start3A_328 = arith.constant 0 : i32
    %dma_start3A_329 = arith.constant 0 : i32
    %dma_start3A_330 = tpu.memref_slice %arg6[%dma_start3A_327, %dma_start3A_328, %dma_start3A_329] : memref<2x56x128xf32, #tpu.memory_space<vmem>> -> memref<1x56x128xf32, #tpu.memory_space<vmem>>
    %dma_start3A_331 = tpu.memref_squeeze %dma_start3A_330 : memref<1x56x128xf32, #tpu.memory_space<vmem>> -> memref<56x128xf32, #tpu.memory_space<vmem>>
    %dma_start3A_332 = arith.constant 0 : i32
    %dma_start3A_333 = tpu.memref_slice %arg4[%add3A_326, %dma_start3A_332] : memref<12544x128xf32, #tpu.memory_space<hbm>> -> memref<56x128xf32, #tpu.memory_space<hbm>>
    %dma_start3A_334 = arith.constant 0 : i32
    %dma_start3A_335 = tpu.memref_slice %arg4[%add3A_326, %dma_start3A_334] : memref<12544x128xf32, #tpu.memory_space<hbm>> -> memref<56x128xf32, #tpu.memory_space<hbm>>
    %dma_start3A_336 = arith.constant 0 : i32
    %dma_start3A_337 = arith.constant 0 : i32
    %dma_start3A_338 = tpu.memref_slice %arg6[%dma_start3A_327, %dma_start3A_336, %dma_start3A_337] : memref<2x56x128xf32, #tpu.memory_space<vmem>> -> memref<1x56x128xf32, #tpu.memory_space<vmem>>
    %dma_start3A_339 = tpu.memref_squeeze %dma_start3A_338 : memref<1x56x128xf32, #tpu.memory_space<vmem>> -> memref<56x128xf32, #tpu.memory_space<vmem>>
    tpu.enqueue_dma source(%dma_start3A_339 : memref<56x128xf32, #tpu.memory_space<vmem>>) target(%dma_start3A_335 : memref<56x128xf32, #tpu.memory_space<hbm>>) target_semaphore(%arg8 : memref<!tpu.dma_semaphore, #tpu.memory_space<semaphore_mem>>)
    %add3A_340 = arith.constant 336 : i32
    %add3A_341 = arith.addi %mul3A_2, %add3A_340 : i32
    %dma_wait3A_342 = arith.constant 0 : i32
    %dma_wait3A_343 = arith.constant 0 : i32
    %dma_wait3A_344 = arith.constant 0 : i32
    %dma_wait3A_345 = tpu.memref_slice %arg6[%dma_wait3A_342, %dma_wait3A_343, %dma_wait3A_344] : memref<2x56x128xf32, #tpu.memory_space<vmem>> -> memref<1x56x128xf32, #tpu.memory_space<vmem>>
    %dma_wait3A_346 = tpu.memref_squeeze %dma_wait3A_345 : memref<1x56x128xf32, #tpu.memory_space<vmem>> -> memref<56x128xf32, #tpu.memory_space<vmem>>
    %dma_wait3A_347 = arith.constant 0 : i32
    %dma_wait3A_348 = tpu.memref_slice %arg4[%add3A_341, %dma_wait3A_347] : memref<12544x128xf32, #tpu.memory_space<hbm>> -> memref<56x128xf32, #tpu.memory_space<hbm>>
    %dma_wait3A_349 = arith.constant 0 : i32
    %dma_wait3A_350 = tpu.memref_slice %arg4[%add3A_341, %dma_wait3A_349] : memref<12544x128xf32, #tpu.memory_space<hbm>> -> memref<56x128xf32, #tpu.memory_space<hbm>>
    %dma_wait3A_351 = arith.constant 0 : i32
    %dma_wait3A_352 = arith.constant 0 : i32
    %dma_wait3A_353 = tpu.memref_slice %arg6[%dma_wait3A_342, %dma_wait3A_351, %dma_wait3A_352] : memref<2x56x128xf32, #tpu.memory_space<vmem>> -> memref<1x56x128xf32, #tpu.memory_space<vmem>>
    %dma_wait3A_354 = tpu.memref_squeeze %dma_wait3A_353 : memref<1x56x128xf32, #tpu.memory_space<vmem>> -> memref<56x128xf32, #tpu.memory_space<vmem>>
    tpu.wait_dma2 semaphore(%arg8 : memref<!tpu.dma_semaphore, #tpu.memory_space<semaphore_mem>>) src(%dma_wait3A_354 : memref<56x128xf32, #tpu.memory_space<vmem>>) dst(%dma_wait3A_350 : memref<56x128xf32, #tpu.memory_space<hbm>>)
    return
  }
}

module attributes {stable_mosaic.version = 14 : i64} {
  func.func @_vq_body(%arg0: i32, %arg1: memref<1792x128xf32, #tpu.memory_space<vmem>>, %arg2: memref<512x128xf32, #tpu.memory_space<vmem>>, %arg3: memref<1792x1xf32, #tpu.memory_space<vmem>>, %arg4: memref<1x512xf32, #tpu.memory_space<vmem>>, %arg5: memref<1x1x1792xi32, #tpu.memory_space<vmem>>, %arg6: memref<1792x128xf32, #tpu.memory_space<vmem>>) attributes {dimension_semantics = [#tpu.dimension_semantics<arbitrary>], iteration_bounds = array<i64: 7>, scalar_prefetch = 0 : i64, scratch_operands = 0 : i64, tpu.core_type = #tpu.core_type<tc>, window_params = [{transform_indices = @transform_0, window_bounds = array<i64: 1792, 128>}, {pipeline_mode = #tpu.pipeline_mode<synchronous>, transform_indices = @transform_1, window_bounds = array<i64: 512, 128>}, {transform_indices = @transform_2, window_bounds = array<i64: 1792, 1>}, {pipeline_mode = #tpu.pipeline_mode<synchronous>, transform_indices = @transform_3, window_bounds = array<i64: 1, 512>}, {transform_indices = @transform_4, window_bounds = array<i64: 1, 1, 1792>}, {transform_indices = @transform_5, window_bounds = array<i64: 1792, 128>}]} {
    %get3A = arith.constant 0 : index
    %get3A_0 = arith.constant 0 : index
    %get3A_1 = vector.load %arg1[%get3A, %get3A_0] : memref<1792x128xf32, #tpu.memory_space<vmem>>, vector<1792x128xf32>
    %get3A_2 = arith.constant 0 : index
    %get3A_3 = arith.constant 0 : index
    %get3A_4 = vector.load %arg2[%get3A_2, %get3A_3] : memref<512x128xf32, #tpu.memory_space<vmem>>, vector<512x128xf32>
    %dot_general3A = arith.constant dense<0.000000e+00> : vector<1792x512xf32>
    %dot_general3A_5 = tpu.matmul %get3A_1, %get3A_4, %dot_general3A {dimension_numbers = #tpu.dot_dimension_numbers<[1], [1], [0], [0], [0, 0, 1, 0], [], []>, transpose_lhs_hint = false} : vector<1792x128xf32>, vector<512x128xf32>, vector<1792x512xf32> -> vector<1792x512xf32>
    %get3A_6 = arith.constant 0 : index
    %get3A_7 = arith.constant 0 : index
    %get3A_8 = vector.load %arg3[%get3A_6, %get3A_7] : memref<1792x1xf32, #tpu.memory_space<vmem>>, vector<1792x1xf32>
    %mul3A = arith.constant 2.000000e+00 : f32
    %mul3A_9 = vector.broadcast %mul3A : f32 to vector<1792x512xf32>
    %mul3A_10 = arith.mulf %mul3A_9, %dot_general3A_5 : vector<1792x512xf32>
    %sub3A = vector.broadcast %get3A_8 : vector<1792x1xf32> to vector<1792x512xf32>
    %sub3A_11 = arith.subf %sub3A, %mul3A_10 : vector<1792x512xf32>
    %get3A_12 = arith.constant 0 : index
    %get3A_13 = arith.constant 0 : index
    %get3A_14 = vector.load %arg4[%get3A_12, %get3A_13] : memref<1x512xf32, #tpu.memory_space<vmem>>, vector<1x512xf32>
    %add3A = vector.broadcast %get3A_14 : vector<1x512xf32> to vector<1792x512xf32>
    %add3A_15 = arith.addf %sub3A_11, %add3A : vector<1792x512xf32>
    %reduce_min3A = arith.constant dense<0x7F800000> : vector<1792xf32>
    %reduce_min3A_16 = vector.multi_reduction <minimumf>, %add3A_15, %reduce_min3A [1] : vector<1792x512xf32> to vector<1792xf32>
    %broadcast_in_dim3A = vector.shape_cast %reduce_min3A_16 : vector<1792xf32> to vector<1792x1xf32>
    %iota3A = tpu.iota {dimensions = array<i32: 1>} : vector<1792x512xi32>
    %eq3A = vector.broadcast %broadcast_in_dim3A : vector<1792x1xf32> to vector<1792x512xf32>
    %eq3A_17 = arith.cmpf oeq, %add3A_15, %eq3A : vector<1792x512xf32>
    %jit3A = arith.constant 512 : i32
    %broadcast_in_dim3A_18 = vector.broadcast %jit3A : i32 to vector<1792x512xi32>
    %select_n3A = arith.select %eq3A_17, %iota3A, %broadcast_in_dim3A_18 : vector<1792x512xi1>, vector<1792x512xi32>
    %reduce_min3A_19 = arith.constant dense<2147483647> : vector<1792xi32>
    %reduce_min3A_20 = vector.multi_reduction <minsi>, %select_n3A, %reduce_min3A_19 [1] : vector<1792x512xi32> to vector<1792xi32>
    %swap3A = arith.constant 0 : index
    %swap3A_21 = arith.constant 0 : index
    %swap3A_22 = arith.constant 0 : index
    %swap3A_23 = vector.load %arg5[%swap3A, %swap3A_21, %swap3A_22] : memref<1x1x1792xi32, #tpu.memory_space<vmem>>, vector<1x1x1792xi32>
    %swap3A_24 = vector.shape_cast %swap3A_23 : vector<1x1x1792xi32> to vector<1792xi32>
    %swap3A_25 = vector.shape_cast %reduce_min3A_20 : vector<1792xi32> to vector<1x1x1792xi32>
    tpu.vector_store %arg5[%swap3A, %swap3A_21, %swap3A_22], %swap3A_25 {strides = array<i32>} : memref<1x1x1792xi32, #tpu.memory_space<vmem>>, vector<1x1x1792xi32>,
    %broadcast_in_dim3A_26 = vector.shape_cast %reduce_min3A_20 : vector<1792xi32> to vector<1792x1xi32>
    %eq3A_27 = vector.broadcast %broadcast_in_dim3A_26 : vector<1792x1xi32> to vector<1792x512xi32>
    %eq3A_28 = arith.cmpi eq, %iota3A, %eq3A_27 : vector<1792x512xi32>
    %convert_element_type3A = arith.extui %eq3A_28 : vector<1792x512xi1> to vector<1792x512xi32>
    %convert_element_type3A_29 = arith.sitofp %convert_element_type3A : vector<1792x512xi32> to vector<1792x512xf32>
    %convert_element_type3A_30 = arith.truncf %get3A_4 : vector<512x128xf32> to vector<512x128xbf16>
    %convert_element_type3A_31 = arith.extf %convert_element_type3A_30 : vector<512x128xbf16> to vector<512x128xf32>
    %sub3A_32 = arith.subf %get3A_4, %convert_element_type3A_31 : vector<512x128xf32>
    %dot_general3A_33 = arith.constant dense<0.000000e+00> : vector<1792x128xf32>
    %dot_general3A_34 = tpu.matmul %convert_element_type3A_29, %convert_element_type3A_31, %dot_general3A_33 {dimension_numbers = #tpu.dot_dimension_numbers<[1], [0], [0], [1], [0, 0, 1, 1], [], []>, transpose_lhs_hint = false} : vector<1792x512xf32>, vector<512x128xf32>, vector<1792x128xf32> -> vector<1792x128xf32>
    %dot_general3A_35 = arith.constant dense<0.000000e+00> : vector<1792x128xf32>
    %dot_general3A_36 = tpu.matmul %convert_element_type3A_29, %sub3A_32, %dot_general3A_35 {dimension_numbers = #tpu.dot_dimension_numbers<[1], [0], [0], [1], [0, 0, 1, 1], [], []>, transpose_lhs_hint = false} : vector<1792x512xf32>, vector<512x128xf32>, vector<1792x128xf32> -> vector<1792x128xf32>
    %add3A_37 = arith.addf %dot_general3A_34, %dot_general3A_36 : vector<1792x128xf32>
    %swap3A_38 = arith.constant 0 : index
    %swap3A_39 = arith.constant 0 : index
    %swap3A_40 = vector.load %arg6[%swap3A_38, %swap3A_39] : memref<1792x128xf32, #tpu.memory_space<vmem>>, vector<1792x128xf32>
    tpu.vector_store %arg6[%swap3A_38, %swap3A_39], %add3A_37 {strides = array<i32>} : memref<1792x128xf32, #tpu.memory_space<vmem>>, vector<1792x128xf32>,
    return
  }
  func.func @transform_0(%arg0: i32) -> (i32, i32) {
    %c0_i32 = arith.constant 0 : i32
    %c0_i32_0 = arith.constant 0 : i32
    return %arg0, %c0_i32 : i32, i32
  }
  func.func @transform_1(%arg0: i32) -> (i32, i32) {
    %c0_i32 = arith.constant 0 : i32
    %c0_i32_0 = arith.constant 0 : i32
    %c0_i32_1 = arith.constant 0 : i32
    return %c0_i32, %c0_i32_0 : i32, i32
  }
  func.func @transform_2(%arg0: i32) -> (i32, i32) {
    %c0_i32 = arith.constant 0 : i32
    %c0_i32_0 = arith.constant 0 : i32
    return %arg0, %c0_i32 : i32, i32
  }
  func.func @transform_3(%arg0: i32) -> (i32, i32) {
    %c0_i32 = arith.constant 0 : i32
    %c0_i32_0 = arith.constant 0 : i32
    %c0_i32_1 = arith.constant 0 : i32
    return %c0_i32, %c0_i32_0 : i32, i32
  }
  func.func @transform_4(%arg0: i32) -> (i32, i32, i32) {
    %c0_i32 = arith.constant 0 : i32
    %c0_i32_0 = arith.constant 0 : i32
    %c0_i32_1 = arith.constant 0 : i32
    return %arg0, %c0_i32, %c0_i32_0 : i32, i32, i32
  }
  func.func @transform_5(%arg0: i32) -> (i32, i32) {
    %c0_i32 = arith.constant 0 : i32
    %c0_i32_0 = arith.constant 0 : i32
    return %arg0, %c0_i32 : i32, i32
  }
}

module attributes {stable_mosaic.version = 14 : i64} {
  func.func @_loss_body(%arg0: i32, %arg1: memref<1792x128xf32, #tpu.memory_space<vmem>>, %arg2: memref<1792x128xf32, #tpu.memory_space<vmem>>, %arg3: memref<1x1xf32, #tpu.memory_space<smem>>) attributes {dimension_semantics = [#tpu.dimension_semantics<arbitrary>], iteration_bounds = array<i64: 7>, scalar_prefetch = 0 : i64, scratch_operands = 0 : i64, tpu.core_type = #tpu.core_type<tc>, window_params = [{transform_indices = @transform_0, window_bounds = array<i64: 1792, 128>}, {transform_indices = @transform_1, window_bounds = array<i64: 1792, 128>}, {transform_indices = @transform_2, window_bounds = array<i64: 1, 1>}]} {
    %get3A = arith.constant 0 : index
    %get3A_0 = arith.constant 0 : index
    %get3A_1 = vector.load %arg2[%get3A, %get3A_0] : memref<1792x128xf32, #tpu.memory_space<vmem>>, vector<1792x128xf32>
    %get3A_2 = arith.constant 0 : index
    %get3A_3 = arith.constant 0 : index
    %get3A_4 = vector.load %arg1[%get3A_2, %get3A_3] : memref<1792x128xf32, #tpu.memory_space<vmem>>, vector<1792x128xf32>
    %sub3A = arith.subf %get3A_1, %get3A_4 : vector<1792x128xf32>
    %mul3A = arith.mulf %sub3A, %sub3A : vector<1792x128xf32>
    %reduce_sum3A = vector.shape_cast %mul3A : vector<1792x128xf32> to vector<1x1792x128xf32>
    %reduce_sum3A_5 = arith.constant dense<0.000000e+00> : vector<1xf32>
    %reduce_sum3A_6 = vector.multi_reduction <add>, %reduce_sum3A, %reduce_sum3A_5 [1, 2] : vector<1x1792x128xf32> to vector<1xf32>
    %reduce_sum3A_7 = vector.shape_cast %reduce_sum3A_6 : vector<1xf32> to vector<1x1x1xf32>
    %reduce_sum3A_8 = vector.extract %reduce_sum3A_7[0, 0, 0] : f32 from vector<1x1x1xf32>
    %eq3A = arith.constant 0 : i32
    %eq3A_9 = arith.cmpi eq, %arg0, %eq3A : i32
    %convert_element_type3A = arith.extui %eq3A_9 : i1 to i32
    %cond3A = arith.constant 0 : i32
    %cond3A_10 = arith.cmpi ne, %convert_element_type3A, %cond3A : i32
    scf.if %cond3A_10 {
      %swap3A_16 = arith.constant 0.000000e+00 : f32
      %swap3A_17 = arith.constant 0 : index
      %swap3A_18 = arith.constant 0 : index
      %swap3A_19 = memref.load %arg3[%swap3A_17, %swap3A_18] : memref<1x1xf32, #tpu.memory_space<smem>>
      memref.store %swap3A_16, %arg3[%swap3A_17, %swap3A_18] : memref<1x1xf32, #tpu.memory_space<smem>>
    } else {
    }
    %get3A_11 = arith.constant 0 : index
    %get3A_12 = arith.constant 0 : index
    %get3A_13 = memref.load %arg3[%get3A_11, %get3A_12] : memref<1x1xf32, #tpu.memory_space<smem>>
    %add3A = arith.addf %get3A_13, %reduce_sum3A_8 : f32
    %swap3A = arith.constant 0 : index
    %swap3A_14 = arith.constant 0 : index
    %swap3A_15 = memref.load %arg3[%swap3A, %swap3A_14] : memref<1x1xf32, #tpu.memory_space<smem>>
    memref.store %add3A, %arg3[%swap3A, %swap3A_14] : memref<1x1xf32, #tpu.memory_space<smem>>
    return
  }
  func.func @transform_0(%arg0: i32) -> (i32, i32) {
    %c0_i32 = arith.constant 0 : i32
    %c0_i32_0 = arith.constant 0 : i32
    return %arg0, %c0_i32 : i32, i32
  }
  func.func @transform_1(%arg0: i32) -> (i32, i32) {
    %c0_i32 = arith.constant 0 : i32
    %c0_i32_0 = arith.constant 0 : i32
    return %arg0, %c0_i32 : i32, i32
  }
  func.func @transform_2(%arg0: i32) -> (i32, i32) {
    %c0_i32 = arith.constant 0 : i32
    %c0_i32_0 = arith.constant 0 : i32
    %c0_i32_1 = arith.constant 0 : i32
    return %c0_i32, %c0_i32_0 : i32, i32
  }
}

</mosaic_0001>

<sc_bundles>
// kernel: kernel.5.cloned.1.call-start
scs
__scs_entry_jumppad:
0x0: {  	(pc) =	sbr.rel $0x88, $3  }
0x1: {  	(tag) =	ssettag $0x0;
	lr =	simm.s32 $0x1  }
0x2: {  	[smem:$0x3F93] =	sst lr;
	_ =	strace $0xD0000000  }
0x3: {  	_ = 	snop  }
0x4: {  	_ = 	snop  }
0x5: {  	_ = 	snop  }
0x6: {  	_ = 	snop  }
0x7: {  	_ = 	snop  }
__scs_overlays_trampoline_lowered:
0x8: {  	[smem:$0x3FA2] =	sst s0  }
0x9: {  	[smem:$0x3FA3] =	sst s1  }
0xa: {  	[smem:$0x3FA4] =	sst s2  }
0xb: {  	[smem:$0x3FA5] =	sst s3  }
0xc: {  	[smem:$0x3FA6] =	sst s4  }
0xd: {  	[smem:$0x3FA7] =	sst s5  }
0xe: {  	[smem:$0x3FA8] =	sst s6  }
0xf: {  	[smem:$0x3FA9] =	sst s7  }
0x10: {  	[smem:$0x3FAA] =	sst s8  }
0x11: {  	[smem:$0x3FAB] =	sst s9;
	s0 =	simm.s32 @!p0 $0x0  }
0x12: {  	s1 =	sld [smem:$0x3F91];
	s0 =	simm.s32 @p0 $0x1  }
0x13: {  	[smem:$0x3FAC] =	sst s0;
	s0 =	simm.s32 @!p1 $0x0  }
0x14: {  	s2 =	sld [smem:$0x3F90];
	s0 =	simm.s32 @p1 $0x1  }
0x15: {  	[smem:$0x3FAD] =	sst s0;
	s0 =	simm.s32 @!p2 $0x0  }
0x16: {  	s3 =	sld [smem:$0x3FDB];
	s0 =	simm.s32 @p2 $0x1  }
0x17: {  	s4 =	simm.s32 $0x1BF5;
	[smem:$0x3FAF] =	sst s0  }
0x18: {  	s0 =	sld [smem:$0x3F92];
	_ =	swait.ge [sflag:s4], $0x0  }
0x19: {  	s7 =	sld [smem:$0x3F93]  }
0x1a: {  	s8 =	sadd.s32 $0xFFFFE003, lr  }
0x1b: {  	s9 =	sadd.s32 $0xFFFFFEF7, lr;
	s5 =	simm.s32 $0xFFFFFFFF;
	p2 =	slt.u32 s8, $0xFFFFF086  }
0x1c: {  	p1 =	slt.u32 s9, $0xF7A;
	s5 =	simm.s32 @!p2 $0x0  }
0x1d: {  	s5 =	simm.s32 @p1 $0x1;
	p0 =	seq.s32 s7, s2  }
0x1e: {  	s7 =	smul.u32 @!p0 $0xF7A, s2;
	p2 =	seq.s32 @!p0 s5, $0x0  }
0x1f: {  	s9 =	smul.u32 $0xF7A, s1;
	s8 =	simm.s32 @!p0 $0x1BF5;
	p2 =	por !p2, p0  }
0x20: {  	[sflag:s8] =	ssyncset.s32 @!p0 $0xFFFFF086;
	s6 =	sadd.s32 @!p0 s3, s7;
	s7 =	simm.s32 @!p0 $0x108  }
0x21: {  	s3 =	sadd.s32 s3, s9;
	s6 =	sadd.s32 @!p0 $0x88, s6;
	s7 =	simm.s32 @p2 $0x1082  }
0x22: {  	[simem:s7], [sflag:s8] =	dma.local @!p0 [hbm:s6], $0xF7A  }
0x23: {  	s9 =	sor.u32 $0xD0000000, s2;
	s6 =	simm.s32 $0x108;
	_ =	swait.ge @!p0 [sflag:s8], $0x0  }
0x24: {  	s3 =	sadd.s32 $0x88, s3;
	s6 =	simm.s32 @!p1 $0x1082;
	[sflag:s4] =	ssyncset.s32 $0xFFFFF086  }
0x25: {  	[simem:s6], [sflag:s4] =	dma.local [hbm:s3], $0xF7A  }
0x26: {  	[smem:$0x3F93] =	sst s1;
	(tag) =	ssettag s2;
	_ =	strace s9  }
0x27: {  	s1 =	sld [smem:$0x3FA3]  }
0x28: {  	s2 =	sld [smem:$0x3FA4]  }
0x29: {  	s4 =	sld [smem:$0x3FA6]  }
0x2a: {  	p0 =	seq.s32 s5, $0x0;
	s5 =	sld [smem:$0x3FA7]  }
0x2b: {  	s6 =	sld [smem:$0x3FA8]  }
0x2c: {  	s7 =	sld [smem:$0x3FA9]  }
0x2d: {  	s3 =	simm.s32 $0x108;
	s8 =	sld [smem:$0x3FAA]  }
0x2e: {  	s3 =	simm.s32 @!p0 $0x1082;
	s9 =	sld [smem:$0x3FAB]  }
0x2f: {  	lr =	sadd.s32 s0, s3;
	s0 =	sld [smem:$0x3FA2]  }
0x30: {  	s3 =	sld [smem:$0x3FA5]  }
0x31: {  	[smem:$0x3FAE] =	sst s10  }
0x32: {  	s10 =	sld [smem:$0x3FAC];
	_ =	sdelay $0x3  }
0x33: {  	p0 =	seq.s32 s10, $0x1;
	s10 =	sld [smem:$0x3FAE];
	_ =	sdelay $0x3  }
0x34: {  	[smem:$0x3FAE] =	sst s10  }
0x35: {  	s10 =	sld [smem:$0x3FAD];
	_ =	sdelay $0x3  }
0x36: {  	p1 =	seq.s32 s10, $0x1;
	s10 =	sld [smem:$0x3FAE];
	_ =	sdelay $0x3  }
0x37: {  	[smem:$0x3FAE] =	sst s10  }
0x38: {  	s10 =	sld [smem:$0x3FAF]  }
0x39: {  	_ = 	snop;
	(pc) =	sbr.ind lr, $3  }
0x3a: {  	_ = 	snop  }
0x3b: {  	_ = 	snop  }
0x3c: {  	p2 =	seq.s32 s10, $0x1;
	s10 =	sld [smem:$0x3FAE]  }
0x3d: {  	_ =	shalt  }
0x3e: {  	_ =	shalt  }
0x3f: {  	_ =	shalt  }
0x40: {  	_ =	shalt  }
0x41: {  	_ =	shalt  }
0x42: {  	_ =	shalt  }
0x43: {  	_ =	shalt  }
0x44: {  	_ =	shalt  }
0x45: {  	_ =	shalt  }
0x46: {  	_ =	shalt  }
0x47: {  	_ =	shalt  }
0x48: {  	_ =	shalt  }
0x49: {  	_ =	shalt  }
0x4a: {  	_ =	shalt  }
0x4b: {  	_ =	shalt  }
0x4c: {  	_ =	shalt  }
0x4d: {  	_ =	shalt  }
0x4e: {  	_ =	shalt  }
0x4f: {  	_ =	shalt  }
0x50: {  	_ =	shalt  }
0x51: {  	_ =	shalt  }
0x52: {  	_ =	shalt  }
0x53: {  	_ =	shalt  }
0x54: {  	_ =	shalt  }
0x55: {  	_ =	shalt  }
0x56: {  	_ =	shalt  }
0x57: {  	_ =	shalt  }
0x58: {  	_ =	shalt  }
0x59: {  	_ =	shalt  }
0x5a: {  	_ =	shalt  }
0x5b: {  	_ =	shalt  }
0x5c: {  	_ =	shalt  }
0x5d: {  	_ =	shalt  }
0x5e: {  	_ =	shalt  }
0x5f: {  	_ =	shalt  }
0x60: {  	_ =	shalt  }
0x61: {  	_ =	shalt  }
0x62: {  	_ =	shalt  }
0x63: {  	_ =	shalt  }
0x64: {  	_ =	shalt  }
0x65: {  	_ =	shalt  }
0x66: {  	_ =	shalt  }
0x67: {  	_ =	shalt  }
0x68: {  	_ =	shalt  }
0x69: {  	_ =	shalt  }
0x6a: {  	_ =	shalt  }
0x6b: {  	_ =	shalt  }
0x6c: {  	_ =	shalt  }
0x6d: {  	_ =	shalt  }
0x6e: {  	_ =	shalt  }
0x6f: {  	_ =	shalt  }
0x70: {  	_ =	shalt  }
0x71: {  	_ =	shalt  }
0x72: {  	_ =	shalt  }
0x73: {  	_ =	shalt  }
0x74: {  	_ =	shalt  }
0x75: {  	_ =	shalt  }
0x76: {  	_ =	shalt  }
0x77: {  	_ =	shalt  }
0x78: {  	_ =	shalt  }
0x79: {  	_ =	shalt  }
0x7a: {  	_ =	shalt  }
0x7b: {  	_ =	shalt  }
0x7c: {  	_ =	shalt  }
0x7d: {  	_ =	shalt  }
0x7e: {  	_ =	shalt  }
0x7f: {  	_ =	shalt  }
0x80: {  	_ =	shalt  }
0x81: {  	_ =	shalt  }
0x82: {  	_ =	shalt  }
0x83: {  	_ =	shalt  }
0x84: {  	_ =	shalt  }
0x85: {  	_ =	shalt  }
0x86: {  	_ =	shalt  }
0x87: {  	_ =	shalt  }
.Lfunc_end0:
.L_simem_size_0:
called_computation_lowered:
.L_overlay_start_0:
0x88: {  	s2 =	sld [smem:$0x3FD9]  }
0x89: {  	s3 =	sld [smem:$0x3FFE];
	_ =	sdelay $0x1  }
0x8a: {  	s1 =	srdreg.scid  }
0x8b: {  	s0 =	sand.u32 $0x1, s1  }
0x8c: {  	s17 =	sshll.u32 s0, $0xA;
	s2 =	sadd.s32 s3, s2  }
0x8d: {  	s2 =	sadd.s32 s2, s17  }
0x8e: {  	[smem:$0x3FBA] =	sst s2  }
0x8f: {  	_ = 	snop  }
0x90: {  	s2 =	sld [smem:$0x3FC2];
	(tm) =	ssettm $0x1  }
0x91: {  	s18 =	sld [smem:$0x3FFB];
	_ =	sdelay $0x3  }
0x92: {  	_ =	strace s18  }
0x93: {  	s3 =	sld [smem:$0x3FFC];
	_ =	sdelay $0x3  }
0x94: {  	_ =	strace s3  }
0x95: {  	s3 =	sld [smem:$0x3FFD];
	_ =	sdelay $0x3  }
0x96: {  	_ =	strace s3  }
0x97: {  	_ =	strace $0x8FFFFFFF  }
0x98: {  	s19 =	sld [smem:$0x3FDB];
	_ =	sdelay $0x1  }
0x99: {  	s4 =	simm.s32 $_scs_section_size  }
0x9a: {  	s5 =	simm.s32 $_size__tile_overlayer_lowered;
	s6 =	simm.s32 $_tile_overlayer_lowered  }
0x9b: {  	s22 =	simm.s32 $0x1BFF;
	s21 =	sshll.u32 s6, $0x1;
	s3 =	sadd.s32 s4, s19  }
0x9c: {  	s7 =	simm.s32 $0x0;
	s20 =	sshll.u32 s5, $0x1;
	s5 =	sadd.s32 s21, s3  }
0x9d: {  	[timem:s7], [sflag:s22] =	dma.local [hbm:s5], s20  }
0x9e: {  	_ =	swait.ge [sflag:s22], s20  }
0x9f: {  	s4 =	ssub.s32 $0x0, s20;
	[sflag:s22] =	ssyncset.done $0x0  }
0xa0: {  	[sflag:s22] =	ssyncadd.s32 s4;
	_ =	sdelay $0x1  }
0xa1: {  	s23 =	simm.s32 $0x1B8B  }
0xa2: {  	_ =	swait.ge [sflag:s23], $0x1  }
0xa3: {  	[sflag:s23] =	ssyncset.done $0x0  }
0xa4: {  	s25 =	simm.s32 $0x1B8E;
	s24 =	sld [smem:$0x3FFE];
	[sflag:s23] =	ssyncadd.s32 $0xFFFFFFFF  }
0xa5: {  	s26 =	simm.s32 $execute0_lowered;
	[smem:$0x3FD2] =	sst s25  }
0xa6: {  	s5 =	sshll.u32 s26, $0x1;
	_ =	strace $0x80000046;
	[dreg:$0x1] =	wrdreg $0xFFFFFFFF  }
0xa7: {  	s28 =	simm.s32 $_size_execute0_lowered;
	s3 =	sadd.s32 s3, s5;
	[dreg:$0x0] =	wrdreg $0x0  }
0xa8: {  	s5 =	sshll.u32 s28, $0x1;
	[dreg:$0x2] =	wrdreg s3  }
0xa9: {  	[dreg:$0x3] =	wrdreg s5  }
0xaa: {  	[dreg:$0x4] =	wrdreg $0xC0  }
0xab: {  	_ =	task [dreg:s7], $0x5FFFF  }
0xac: {  	[dreg:$0x1] =	wrdreg $0xFFFFFFFF  }
0xad: {  	[dreg:$0x0] =	wrdreg $0x60  }
0xae: {  	[dreg:$0x2] =	wrdreg s2  }
0xaf: {  	[dreg:$0x3] =	wrdreg s24  }
0xb0: {  	[dreg:$0x4] =	wrdreg $0x9  }
0xb1: {  	_ =	task.clear_ibuf [dreg:s7], $0x5FFFF;
	_ =	strace $0x90000046  }
0xb2: {  	s29 =	simm.s32 $0x9;
	_ =	strace $0x80000048  }
0xb3: {  	_ =	swait.ge [sflag:s29], $0x1  }
0xb4: {  	[sflag:s29] =	ssyncadd.s32 $0xFFFFFFFF  }
0xb5: {  	_ =	strace $0x90000048  }
0xb6: {  	_ =	sfence  }
0xb7: {  	s30 =	sld [smem:$0x0];
	_ =	sdelay $0x2  }
0xb8: {  	s31 =	sshll.u32 s1, $0xD;
	s1 =	sshrl.u32 s1, $0x2  }
0xb9: {  	s3 =	sand.u32 $0x4000, s31;
	s1 =	sadd.s32 s1, s30  }
0xba: {  	s0 =	sor.u32 s3, s0;
	s1 =	sshll.u32 s1, $0x11  }
0xbb: {  	s0 =	sor.u32 s1, s0  }
0xbc: {  	s0 =	sadd.s32 $0x8F2B, s0  }
0xbd: {  	[sflag:s0] =	ssyncadd.remote.s32 $0x1  }
0xbe: {  	_ =	sfence.sel $0xFFFF  }
0xbf: {  	[dreg:$0x0] =	wrdreg $0xFFFFFFFF;
	(pc) =	sbr.abs _section_cstart, $3  }
0xc0: {  	[dreg:$0x1] =	wrdreg $0xFFFFFFFF  }
0xc1: {  	_ =	task.clear_ibuf [dreg:s7], $0x2FFFF;
	_ =	strace $0x9FFFFFFF  }
0xc2: {  	(tm) =	ssettm $0x7FFFFFFF  }
0xc3: {  	_ =	shalt  }
tec
execute0_lowered:
.L_overlay_start_1:
0x0: {  	(tag) =	ssettag $0x1  }
0x1: {  	s1 =	srdreg.scid;
	s0 =	stileid.u32  }
0x2: {  	s22 =	sand.u32 $0x1, s1;
	s30 =	sshll.u32 s0, $0x1  }
0x3: {  	s11 =	sor.u32 s22, s30  }
0x4: {  	s2 =	rddreg [dreg:$0x0];
	s4 =	smul.u32 $0x31, s11  }
0x5: {  	s9 =	rddreg [dreg:$0x1];
	s3 =	simm.s32 $0x0  }
0x6: {  	s5 =	simm.s32 $0x3;
	[smem:$0x7FF] =	sst s3;
	s4 =	sadd.s32 s4, s9  }
0x7: {  	s1 =	rddreg [dreg:$0x2];
	_ =	strace $0x80000047;
	s4 =	sadd.s32 $0x33400, s4  }
0x8: {  	[tilespmem:s3], [sflag:$0x3] =	stream.linear.gather [hbm4b:s4+s3], $0x188, $0x38;
	[tilespmem:$0x3A00] =	vst v63  }
0x9: {  	_ =	swait.ge [sflag:s5], $0x188  }
0xa: {  	s6 =	simm.s32 $0x38;
	[sflag:s5] =	ssyncset.done $0x0  }
0xb: {  	s7 =	simm.s32 $0x200;
	s8 =	simm.s32 $0x1;
	[sflag:s5] =	ssyncadd.s32 $0xFFFFFE78  }
0xc: {  	[tilespmem:s7], [sflag:$0x1] =	stream.indirect.gather [hbm4b:s2+s6], $0x80, s3, s6, $0xb8;
	[tilespmem:$0x3A00] =	vst v63  }
0xd: {  	_ =	swait.ge [sflag:s8], $0x1C00  }
0xe: {  	s12 =	sadd.s32 $0x33C00, s9;
	[sflag:s8] =	ssyncset.done $0x0  }
0xf: {  	s10 =	smul.u32 $0x1880, s11;
	s9 =	simm.s32 $0x1E00;
	[sflag:s8] =	ssyncadd.s32 $0xFFFFE400  }
0x10: {  	[tilespmem:s9], [sflag:$0x1] =	stream.indirect.gather [hbm4b:s2+s6], $0x80, s6, s6, $0xb8;
	[tilespmem:$0x3A00] =	vst v63  }
0x11: {  	s10 =	sadd.s32 s12, s10  }
0x12: {  	[hbm4b:s10+s3] =	stream.linear.scatter [tilespmem:s7], [sflag:$0x2], $0x1C00, $0x38;
	[tilespmem:$0x3A00] =	vst v63  }
0x13: {  	_ =	swait.ge [sflag:s8], $0x1C00  }
0x14: {  	[sflag:s8] =	ssyncset.done $0x0  }
0x15: {  	s13 =	smul.u32 $0xC400, s11;
	s11 =	simm.s32 $0x2;
	[sflag:s8] =	ssyncadd.s32 $0xFFFFE400  }
0x16: {  	_ =	swait.ge [sflag:s11], $0x1C00  }
0x17: {  	s13 =	sshrl.u32 s13, $0x3;
	[sflag:s11] =	ssyncset.done $0x0  }
0x18: {  	s23 =	sadd.s32 s12, s13;
	s12 =	simm.s32 $0x70;
	[sflag:s11] =	ssyncadd.s32 $0xFFFFE400  }
0x19: {  	[tilespmem:s7], [sflag:$0x1] =	stream.indirect.gather [hbm4b:s2+s6], $0x80, s12, s6, $0xb8;
	[tilespmem:$0x3A00] =	vst v63  }
0x1a: {  	s13 =	sadd.s32 $0x380, s23  }
0x1b: {  	[hbm4b:s13+s3] =	stream.linear.scatter [tilespmem:s9], [sflag:$0x2], $0x1C00, $0x38;
	[tilespmem:$0x3A00] =	vst v63  }
0x1c: {  	_ =	swait.ge [sflag:s8], $0x1C00  }
0x1d: {  	[sflag:s8] =	ssyncset.done $0x0  }
0x1e: {  	[sflag:s8] =	ssyncadd.s32 $0xFFFFE400  }
0x1f: {  	_ =	swait.ge [sflag:s11], $0x1C00  }
0x20: {  	[sflag:s11] =	ssyncset.done $0x0  }
0x21: {  	s14 =	simm.s32 $0xA8;
	[sflag:s11] =	ssyncadd.s32 $0xFFFFE400  }
0x22: {  	[tilespmem:s9], [sflag:$0x1] =	stream.indirect.gather [hbm4b:s2+s6], $0x80, s14, s6, $0xb8;
	[tilespmem:$0x3A00] =	vst v63  }
0x23: {  	s15 =	sadd.s32 $0x700, s23  }
0x24: {  	[hbm4b:s15+s3] =	stream.linear.scatter [tilespmem:s7], [sflag:$0x2], $0x1C00, $0x38;
	[tilespmem:$0x3A00] =	vst v63  }
0x25: {  	_ =	swait.ge [sflag:s8], $0x1C00  }
0x26: {  	[sflag:s8] =	ssyncset.done $0x0  }
0x27: {  	[sflag:s8] =	ssyncadd.s32 $0xFFFFE400  }
0x28: {  	_ =	swait.ge [sflag:s11], $0x1C00  }
0x29: {  	[sflag:s11] =	ssyncset.done $0x0  }
0x2a: {  	s16 =	simm.s32 $0xE0;
	[sflag:s11] =	ssyncadd.s32 $0xFFFFE400  }
0x2b: {  	[tilespmem:s7], [sflag:$0x1] =	stream.indirect.gather [hbm4b:s2+s6], $0x80, s16, s6, $0xb8;
	[tilespmem:$0x3A00] =	vst v63  }
0x2c: {  	s17 =	sadd.s32 $0xA80, s23  }
0x2d: {  	[hbm4b:s17+s3] =	stream.linear.scatter [tilespmem:s9], [sflag:$0x2], $0x1C00, $0x38;
	[tilespmem:$0x3A00] =	vst v63  }
0x2e: {  	_ =	swait.ge [sflag:s8], $0x1C00  }
0x2f: {  	[sflag:s8] =	ssyncset.done $0x0  }
0x30: {  	[sflag:s8] =	ssyncadd.s32 $0xFFFFE400  }
0x31: {  	_ =	swait.ge [sflag:s11], $0x1C00  }
0x32: {  	[sflag:s11] =	ssyncset.done $0x0  }
0x33: {  	s18 =	simm.s32 $0x118;
	[sflag:s11] =	ssyncadd.s32 $0xFFFFE400  }
0x34: {  	[tilespmem:s9], [sflag:$0x1] =	stream.indirect.gather [hbm4b:s2+s6], $0x80, s18, s6, $0xb8;
	[tilespmem:$0x3A00] =	vst v63  }
0x35: {  	s19 =	sadd.s32 $0xE00, s23  }
0x36: {  	[hbm4b:s19+s3] =	stream.linear.scatter [tilespmem:s7], [sflag:$0x2], $0x1C00, $0x38;
	[tilespmem:$0x3A00] =	vst v63  }
0x37: {  	_ =	swait.ge [sflag:s8], $0x1C00  }
0x38: {  	[sflag:s8] =	ssyncset.done $0x0  }
0x39: {  	[sflag:s8] =	ssyncadd.s32 $0xFFFFE400  }
0x3a: {  	_ =	swait.ge [sflag:s11], $0x1C00  }
0x3b: {  	[sflag:s11] =	ssyncset.done $0x0  }
0x3c: {  	s20 =	simm.s32 $0x150;
	[sflag:s11] =	ssyncadd.s32 $0xFFFFE400  }
0x3d: {  	[tilespmem:s7], [sflag:$0x1] =	stream.indirect.gather [hbm4b:s2+s6], $0x80, s20, s6, $0xb8;
	[tilespmem:$0x3A00] =	vst v63  }
0x3e: {  	s22 =	ssub.s32 $0x2, s22;
	s21 =	sadd.s32 $0x1180, s23  }
0x3f: {  	[hbm4b:s21+s3] =	stream.linear.scatter [tilespmem:s9], [sflag:$0x2], $0x1C00, $0x38;
	[tilespmem:$0x3A00] =	vst v63  }
0x40: {  	s24 =	sshrl.u32 s22, $0x1;
	_ =	swait.ge [sflag:s8], $0x1C00  }
0x41: {  	s24 =	ssub.s32 s22, s24;
	[sflag:s8] =	ssyncset.done $0x0  }
0x42: {  	s31 =	smax.u32 s24, $0x1;
	[sflag:s8] =	ssyncadd.s32 $0xFFFFE400  }
0x43: {  	p0 =	sne.s32 s31, $0x1;
	_ =	swait.ge [sflag:s11], $0x1C00  }
.Ltmp0:
0x44: {  	[sflag:s11] =	ssyncset.done $0x0;
	(pc) =	sbr.rel @!p0 .LBB2_2-.Ltmp0, $4  }
0x45: {  	s22 =	sadd.s32 $0x1500, s23;
	[sflag:s11] =	ssyncadd.s32 $0xFFFFE400  }
0x46: {  	[hbm4b:s22+s3] =	stream.linear.scatter [tilespmem:s7], [sflag:$0x2], $0x1C00, $0x38;
	[tilespmem:$0x3A00] =	vst v63  }
0x47: {  	_ =	swait.ge [sflag:s11], $0x1C00  }
0x48: {  	s23 =	sadd.s32 $0xFFFFFFFF, s31;
	[sflag:s11] =	ssyncset.done $0x0  }
.LBB2_1:
0x49: {  	p0 =	sne.s32 s23, $0x1;
	s23 =	sadd.s32 $0xFFFFFFFF, s23;
	[sflag:s11] =	ssyncadd.s32 $0xFFFFE400  }
0x4a: {  	[tilespmem:s3], [sflag:$0x3] =	stream.linear.gather [hbm4b:s4+s3], $0x188, $0x38;
	[tilespmem:$0x3A00] =	vst v63  }
0x4b: {  	_ =	swait.ge [sflag:s5], $0x188  }
0x4c: {  	[sflag:s5] =	ssyncset.done $0x0  }
0x4d: {  	[sflag:s5] =	ssyncadd.s32 $0xFFFFFE78  }
0x4e: {  	[tilespmem:s7], [sflag:$0x1] =	stream.indirect.gather [hbm4b:s2+s6], $0x80, s3, s6, $0xb8;
	[tilespmem:$0x3A00] =	vst v63  }
0x4f: {  	_ =	swait.ge [sflag:s8], $0x1C00  }
0x50: {  	[sflag:s8] =	ssyncset.done $0x0  }
0x51: {  	[sflag:s8] =	ssyncadd.s32 $0xFFFFE400  }
0x52: {  	[tilespmem:s9], [sflag:$0x1] =	stream.indirect.gather [hbm4b:s2+s6], $0x80, s6, s6, $0xb8;
	[tilespmem:$0x3A00] =	vst v63  }
0x53: {  	_ = 	snop  }
0x54: {  	[hbm4b:s10+s3] =	stream.linear.scatter [tilespmem:s7], [sflag:$0x2], $0x1C00, $0x38;
	[tilespmem:$0x3A00] =	vst v63  }
0x55: {  	_ =	swait.ge [sflag:s8], $0x1C00  }
0x56: {  	[sflag:s8] =	ssyncset.done $0x0  }
0x57: {  	[sflag:s8] =	ssyncadd.s32 $0xFFFFE400  }
0x58: {  	_ =	swait.ge [sflag:s11], $0x1C00  }
0x59: {  	[sflag:s11] =	ssyncset.done $0x0  }
0x5a: {  	[sflag:s11] =	ssyncadd.s32 $0xFFFFE400  }
0x5b: {  	[tilespmem:s7], [sflag:$0x1] =	stream.indirect.gather [hbm4b:s2+s6], $0x80, s12, s6, $0xb8;
	[tilespmem:$0x3A00] =	vst v63  }
0x5c: {  	_ = 	snop  }
0x5d: {  	[hbm4b:s13+s3] =	stream.linear.scatter [tilespmem:s9], [sflag:$0x2], $0x1C00, $0x38;
	[tilespmem:$0x3A00] =	vst v63  }
0x5e: {  	_ =	swait.ge [sflag:s8], $0x1C00  }
0x5f: {  	[sflag:s8] =	ssyncset.done $0x0  }
0x60: {  	[sflag:s8] =	ssyncadd.s32 $0xFFFFE400  }
0x61: {  	_ =	swait.ge [sflag:s11], $0x1C00  }
0x62: {  	[sflag:s11] =	ssyncset.done $0x0  }
0x63: {  	[sflag:s11] =	ssyncadd.s32 $0xFFFFE400  }
0x64: {  	[tilespmem:s9], [sflag:$0x1] =	stream.indirect.gather [hbm4b:s2+s6], $0x80, s14, s6, $0xb8;
	[tilespmem:$0x3A00] =	vst v63  }
0x65: {  	_ = 	snop  }
0x66: {  	[hbm4b:s15+s3] =	stream.linear.scatter [tilespmem:s7], [sflag:$0x2], $0x1C00, $0x38;
	[tilespmem:$0x3A00] =	vst v63  }
0x67: {  	_ =	swait.ge [sflag:s8], $0x1C00  }
0x68: {  	[sflag:s8] =	ssyncset.done $0x0  }
0x69: {  	[sflag:s8] =	ssyncadd.s32 $0xFFFFE400  }
0x6a: {  	_ =	swait.ge [sflag:s11], $0x1C00  }
0x6b: {  	[sflag:s11] =	ssyncset.done $0x0  }
0x6c: {  	[sflag:s11] =	ssyncadd.s32 $0xFFFFE400  }
0x6d: {  	[tilespmem:s7], [sflag:$0x1] =	stream.indirect.gather [hbm4b:s2+s6], $0x80, s16, s6, $0xb8;
	[tilespmem:$0x3A00] =	vst v63  }
0x6e: {  	_ = 	snop  }
0x6f: {  	[hbm4b:s17+s3] =	stream.linear.scatter [tilespmem:s9], [sflag:$0x2], $0x1C00, $0x38;
	[tilespmem:$0x3A00] =	vst v63  }
0x70: {  	_ =	swait.ge [sflag:s8], $0x1C00  }
0x71: {  	[sflag:s8] =	ssyncset.done $0x0  }
0x72: {  	[sflag:s8] =	ssyncadd.s32 $0xFFFFE400  }
0x73: {  	_ =	swait.ge [sflag:s11], $0x1C00  }
0x74: {  	[sflag:s11] =	ssyncset.done $0x0  }
0x75: {  	[sflag:s11] =	ssyncadd.s32 $0xFFFFE400  }
0x76: {  	[tilespmem:s9], [sflag:$0x1] =	stream.indirect.gather [hbm4b:s2+s6], $0x80, s18, s6, $0xb8;
	[tilespmem:$0x3A00] =	vst v63  }
0x77: {  	_ = 	snop  }
0x78: {  	[hbm4b:s19+s3] =	stream.linear.scatter [tilespmem:s7], [sflag:$0x2], $0x1C00, $0x38;
	[tilespmem:$0x3A00] =	vst v63  }
0x79: {  	_ =	swait.ge [sflag:s8], $0x1C00  }
0x7a: {  	[sflag:s8] =	ssyncset.done $0x0  }
0x7b: {  	[sflag:s8] =	ssyncadd.s32 $0xFFFFE400  }
0x7c: {  	_ =	swait.ge [sflag:s11], $0x1C00  }
0x7d: {  	[sflag:s11] =	ssyncset.done $0x0  }
0x7e: {  	[sflag:s11] =	ssyncadd.s32 $0xFFFFE400  }
0x7f: {  	[tilespmem:s7], [sflag:$0x1] =	stream.indirect.gather [hbm4b:s2+s6], $0x80, s20, s6, $0xb8;
	[tilespmem:$0x3A00] =	vst v63  }
0x80: {  	_ = 	snop  }
0x81: {  	[hbm4b:s21+s3] =	stream.linear.scatter [tilespmem:s9], [sflag:$0x2], $0x1C00, $0x38;
	[tilespmem:$0x3A00] =	vst v63  }
0x82: {  	_ =	swait.ge [sflag:s8], $0x1C00  }
0x83: {  	[sflag:s8] =	ssyncset.done $0x0  }
0x84: {  	[sflag:s8] =	ssyncadd.s32 $0xFFFFE400  }
0x85: {  	_ =	swait.ge [sflag:s11], $0x1C00  }
.Ltmp1:
0x86: {  	[sflag:s11] =	ssyncset.done $0x0;
	(pc) =	sbr.rel @p0 .LBB2_1-.Ltmp1, $4  }
0x87: {  	[sflag:s11] =	ssyncadd.s32 $0xFFFFE400  }
0x88: {  	[hbm4b:s22+s3] =	stream.linear.scatter [tilespmem:s7], [sflag:$0x2], $0x1C00, $0x38;
	[tilespmem:$0x3A00] =	vst v63  }
0x89: {  	_ =	swait.ge [sflag:s11], $0x1C00  }
0x8a: {  	[sflag:s11] =	ssyncset.done $0x0  }
.LBB2_2:
0x8b: {  	[sflag:s11] =	ssyncadd.s32 $0xFFFFE400  }
0x8c: {  	_ =	sfence.sel $0x180000  }
0x8d: {  	[bflag:$0x0] =	sbarrier.arrive $0xFFFF  }
0x8e: {  	p0 =	sne.s32 s0, $0x0;
	_ =	strace $0x90000047  }
0x8f: {  	s0 =	sadd.s32 @!p0 $0x100000, s1;
	[bflag:$0x2] =	sbarrier.arrive $0xFFFF  }
0x90: {  	[sflag:s0] =	ssyncadd.tile.s32 @!p0 $0x1;
	_ =	shalt  }
.Lfunc_end2:
_tile_overlayer_lowered:
.L_overlay_start_2:
0x91: {  	(tag) =	ssettag $0x2  }
0x92: {  	s0 =	rddreg [dreg:$0x0];
	s2 =	stileid.u32  }
0x93: {  	s1 =	rddreg [dreg:$0x1];
	p0 =	sne.s32 s2, $0x0  }
0x94: {  	s3 =	rddreg [dreg:$0x2];
	[bflag:$0x3] =	sbarrier.arrive $0xFFFF;
	s2 =	simm.s32 @!p0 $0x1C04  }
0x95: {  	[timem:s3], [sflag:s2] =	dma.local @!p0 [hbm:s0], s1  }
0x96: {  	s0 =	simm.s32 @!p0 $0x4  }
0x97: {  	_ =	swait.ge @!p0 [sflag:s0], s1  }
0x98: {  	s1 =	ssub.s32 @!p0 $0x0, s1;
	[sflag:s0] =	ssyncset.done @!p0 $0x0  }
0x99: {  	[sflag:s0] =	ssyncadd.s32 @!p0 s1  }
0x9a: {  	[bflag:$0x3] =	sbarrier.arrive $0xFFFF  }
0x9b: {  	_ =	shalt  }

</sc_bundles>
